<compile_context>
chip_gen: v7x
topology: tpu7x:2x2x1
jax: 0.10.2.dev20260603
libtpu: 0.0.44.dev20260713+nightly
codegen_flags: <defaults>
</compile_context>

<pallas_src>
import functools

import jax
import jax.numpy as jnp
from jax.experimental import pallas as pl
from jax.experimental.pallas import tpu as pltpu

WS = 8
TOK = WS * WS


def _attn_body(nwin, x_ref, wq_ref, bq_ref, wk_ref, bk_ref, wv_ref, bv_ref,
               o_ref, q_ref, k_ref, v_ref):
    xb = x_ref[...]
    q_ref[...] = jnp.dot(xb, wq_ref[...],
                         preferred_element_type=jnp.float32) + bq_ref[...]
    k_ref[...] = jnp.dot(xb, wk_ref[...],
                         preferred_element_type=jnp.float32) + bk_ref[...]
    v_ref[...] = jnp.dot(xb, wv_ref[...],
                         preferred_element_type=jnp.float32) + bv_ref[...]

    def win(i, _):
        qw = q_ref[pl.ds(i * TOK, TOK), :]
        kw = k_ref[pl.ds(i * TOK, TOK), :]
        vw = v_ref[pl.ds(i * TOK, TOK), :]
        a = jax.lax.dot_general(qw, kw, (((1,), (1,)), ((), ())),
                                preferred_element_type=jnp.float32)
        a = a - jnp.max(a, axis=-1, keepdims=True)
        e = jnp.exp(a)
        p = e / jnp.sum(e, axis=-1, keepdims=True)
        ow = jnp.dot(p, vw, preferred_element_type=jnp.float32)
        o_ref[pl.ds(i * TOK, TOK), :] = ow
        return 0

    jax.lax.fori_loop(0, nwin, win, 0)


def kernel(x, Wv, bv, Wq, bq, Wk, bk):
    b, c, h, w = x.shape
    hn, wn = h // WS, w // WS
    nwin_total = b * hn * wn

    xw = x.reshape(b, c, hn, WS, wn, WS)
    xw = jnp.transpose(xw, (0, 2, 4, 3, 5, 1))
    xw = xw.reshape(nwin_total * TOK, c)

    nwin_blk = min(64, nwin_total)
    rows = nwin_blk * TOK
    grid = (nwin_total // nwin_blk,)

    wspec = pl.BlockSpec((c, c), lambda i: (0, 0))
    bspec = pl.BlockSpec((1, c), lambda i: (0, 0))
    out = pl.pallas_call(
        functools.partial(_attn_body, nwin_blk),
        grid=grid,
        in_specs=[
            pl.BlockSpec((rows, c), lambda i: (i, 0)),
            wspec, bspec, wspec, bspec, wspec, bspec,
        ],
        out_specs=pl.BlockSpec((rows, c), lambda i: (i, 0)),
        out_shape=jax.ShapeDtypeStruct((nwin_total * TOK, c), jnp.float32),
        scratch_shapes=[pltpu.VMEM((rows, c), jnp.float32)] * 3,
    )(xw, Wq.T, bq[None, :], Wk.T, bk[None, :], Wv.T, bv[None, :])

    out = out.reshape(b, hn, wn, WS, WS, c)
    out = jnp.transpose(out, (0, 5, 1, 3, 2, 4)).reshape(b, c, h, w)
    return out

# --- scband reference (transcript-rebuilt; emitter-appended) ---
"""Pipeline reference for scband-camixer0-18820546691540 (READ-ONLY COPY).

The authoritative reference and input builder live on the scoring server;
editing this copy changes nothing except your own understanding.
"""

import jax, jax.numpy as jnp
import numpy as np

DIM = 192
WS = 8
B, C, H, W = 4, 192, 384, 384

def setup_inputs(seed: int = 0) -> dict:
    key = jax.random.key(seed)
    ks = jax.random.split(key, 7)
    s = 1.0 / np.sqrt(DIM)
    x = jax.random.normal(ks[0], (B, C, H, W), dtype=jnp.float32)
    Wv = jax.random.normal(ks[1], (DIM, DIM), dtype=jnp.float32) * s
    bv = jax.random.normal(ks[2], (DIM,), dtype=jnp.float32) * 0.01
    Wq = jax.random.normal(ks[3], (DIM, DIM), dtype=jnp.float32) * s
    bq = jax.random.normal(ks[4], (DIM,), dtype=jnp.float32) * 0.01
    Wk = jax.random.normal(ks[5], (DIM, DIM), dtype=jnp.float32) * s
    bk = jax.random.normal(ks[6], (DIM,), dtype=jnp.float32) * 0.01
    return {"x": x, "Wv": Wv, "bv": bv, "Wq": Wq, "bq": bq, "Wk": Wk, "bk": bk}

def _proj1x1(x, Wm, b):
    # 1x1 Conv2d == per-pixel matmul over channels
    return jnp.einsum('oi,bihw->bohw', Wm, x) + b[None, :, None, None]

def _window(t, b, c, hn, wn, ws):
    # 'b c (h dh) (w dw) -> (b h w) (dh dw) c'
    t = t.reshape(b, c, hn, ws, wn, ws)
    t = jnp.transpose(t, (0, 2, 4, 3, 5, 1))
    return t.reshape(b * hn * wn, ws * ws, c)

def reference(x, Wv, bv, Wq, bq, Wk, bk):
    b, c, h, w = x.shape
    ws = WS
    hn, wn = h // ws, w // ws
    v1 = _proj1x1(x, Wv, bv)
    q1 = _proj1x1(x, Wq, bq)
    k1 = _proj1x1(x, Wk, bk)
    v1 = _window(v1, b, c, hn, wn, ws)
    q1 = _window(q1, b, c, hn, wn, ws)
    k1 = _window(k1, b, c, hn, wn, ws)
    attn = q1 @ jnp.swapaxes(k1, -2, -1)
    attn = jax.nn.softmax(attn, axis=-1)
    f_attn = attn @ v1
    # '(b h w) (dh dw) c -> b c (h dh) (w dw)'
    f_attn = f_attn.reshape(b, hn, wn, ws, ws, c)
    f_attn = jnp.transpose(f_attn, (0, 5, 1, 3, 2, 4)).reshape(b, c, h, w)
    return f_attn

if __name__ == "__main__":
    import jax
    _d = setup_inputs()
    print(jax.jit(kernel)(*tuple(_d.values())))

</pallas_src>

<mosaic_0001>
module attributes {stable_mosaic.version = 14 : i64} {
  func.func @_attn_body(%arg0: i32, %arg1: memref<4096x192xf32, #tpu.memory_space<vmem>>, %arg2: memref<192x192xf32, #tpu.memory_space<vmem>>, %arg3: memref<1x192xf32, #tpu.memory_space<vmem>>, %arg4: memref<192x192xf32, #tpu.memory_space<vmem>>, %arg5: memref<1x192xf32, #tpu.memory_space<vmem>>, %arg6: memref<192x192xf32, #tpu.memory_space<vmem>>, %arg7: memref<1x192xf32, #tpu.memory_space<vmem>>, %arg8: memref<4096x192xf32, #tpu.memory_space<vmem>>, %arg9: memref<4096x192xf32, #tpu.memory_space<vmem>>, %arg10: memref<4096x192xf32, #tpu.memory_space<vmem>>, %arg11: memref<4096x192xf32, #tpu.memory_space<vmem>>) attributes {dimension_semantics = [#tpu.dimension_semantics<arbitrary>], iteration_bounds = array<i64: 144>, scalar_prefetch = 0 : i64, scratch_operands = 3 : i64, tpu.core_type = #tpu.core_type<tc>, window_params = [{transform_indices = @transform_0, window_bounds = array<i64: 4096, 192>}, {pipeline_mode = #tpu.pipeline_mode<synchronous>, transform_indices = @transform_1, window_bounds = array<i64: 192, 192>}, {pipeline_mode = #tpu.pipeline_mode<synchronous>, transform_indices = @transform_2, window_bounds = array<i64: 1, 192>}, {pipeline_mode = #tpu.pipeline_mode<synchronous>, transform_indices = @transform_3, window_bounds = array<i64: 192, 192>}, {pipeline_mode = #tpu.pipeline_mode<synchronous>, transform_indices = @transform_4, window_bounds = array<i64: 1, 192>}, {pipeline_mode = #tpu.pipeline_mode<synchronous>, transform_indices = @transform_5, window_bounds = array<i64: 192, 192>}, {pipeline_mode = #tpu.pipeline_mode<synchronous>, transform_indices = @transform_6, window_bounds = array<i64: 1, 192>}, {transform_indices = @transform_7, window_bounds = array<i64: 4096, 192>}]} {
    %get3A = arith.constant 0 : index
    %get3A_0 = arith.constant 0 : index
    %get3A_1 = vector.load %arg1[%get3A, %get3A_0] : memref<4096x192xf32, #tpu.memory_space<vmem>>, vector<4096x192xf32>
    %get3A_2 = arith.constant 0 : index
    %get3A_3 = arith.constant 0 : index
    %get3A_4 = vector.load %arg2[%get3A_2, %get3A_3] : memref<192x192xf32, #tpu.memory_space<vmem>>, vector<192x192xf32>
    %dot_general3A = arith.constant dense<0.000000e+00> : vector<4096x192xf32>
    %dot_general3A_5 = tpu.matmul %get3A_1, %get3A_4, %dot_general3A {dimension_numbers = #tpu.dot_dimension_numbers<[1], [0], [0], [1], [0, 0, 1, 1], [], []>, transpose_lhs_hint = false} : vector<4096x192xf32>, vector<192x192xf32>, vector<4096x192xf32> -> vector<4096x192xf32>
    %get3A_6 = arith.constant 0 : index
    %get3A_7 = arith.constant 0 : index
    %get3A_8 = vector.load %arg3[%get3A_6, %get3A_7] : memref<1x192xf32, #tpu.memory_space<vmem>>, vector<1x192xf32>
    %add3A = vector.broadcast %get3A_8 : vector<1x192xf32> to vector<4096x192xf32>
    %add3A_9 = arith.addf %dot_general3A_5, %add3A : vector<4096x192xf32>
    %swap3A = arith.constant 0 : index
    %swap3A_10 = arith.constant 0 : index
    %swap3A_11 = vector.load %arg9[%swap3A, %swap3A_10] : memref<4096x192xf32, #tpu.memory_space<vmem>>, vector<4096x192xf32>
    tpu.vector_store %arg9[%swap3A, %swap3A_10], %add3A_9 {strides = array<i32>} : memref<4096x192xf32, #tpu.memory_space<vmem>>, vector<4096x192xf32>,
    %get3A_12 = arith.constant 0 : index
    %get3A_13 = arith.constant 0 : index
    %get3A_14 = vector.load %arg4[%get3A_12, %get3A_13] : memref<192x192xf32, #tpu.memory_space<vmem>>, vector<192x192xf32>
    %dot_general3A_15 = arith.constant dense<0.000000e+00> : vector<4096x192xf32>
    %dot_general3A_16 = tpu.matmul %get3A_1, %get3A_14, %dot_general3A_15 {dimension_numbers = #tpu.dot_dimension_numbers<[1], [0], [0], [1], [0, 0, 1, 1], [], []>, transpose_lhs_hint = false} : vector<4096x192xf32>, vector<192x192xf32>, vector<4096x192xf32> -> vector<4096x192xf32>
    %get3A_17 = arith.constant 0 : index
    %get3A_18 = arith.constant 0 : index
    %get3A_19 = vector.load %arg5[%get3A_17, %get3A_18] : memref<1x192xf32, #tpu.memory_space<vmem>>, vector<1x192xf32>
    %add3A_20 = vector.broadcast %get3A_19 : vector<1x192xf32> to vector<4096x192xf32>
    %add3A_21 = arith.addf %dot_general3A_16, %add3A_20 : vector<4096x192xf32>
    %swap3A_22 = arith.constant 0 : index
    %swap3A_23 = arith.constant 0 : index
    %swap3A_24 = vector.load %arg10[%swap3A_22, %swap3A_23] : memref<4096x192xf32, #tpu.memory_space<vmem>>, vector<4096x192xf32>
    tpu.vector_store %arg10[%swap3A_22, %swap3A_23], %add3A_21 {strides = array<i32>} : memref<4096x192xf32, #tpu.memory_space<vmem>>, vector<4096x192xf32>,
    %get3A_25 = arith.constant 0 : index
    %get3A_26 = arith.constant 0 : index
    %get3A_27 = vector.load %arg6[%get3A_25, %get3A_26] : memref<192x192xf32, #tpu.memory_space<vmem>>, vector<192x192xf32>
    %dot_general3A_28 = arith.constant dense<0.000000e+00> : vector<4096x192xf32>
    %dot_general3A_29 = tpu.matmul %get3A_1, %get3A_27, %dot_general3A_28 {dimension_numbers = #tpu.dot_dimension_numbers<[1], [0], [0], [1], [0, 0, 1, 1], [], []>, transpose_lhs_hint = false} : vector<4096x192xf32>, vector<192x192xf32>, vector<4096x192xf32> -> vector<4096x192xf32>
    %get3A_30 = arith.constant 0 : index
    %get3A_31 = arith.constant 0 : index
    %get3A_32 = vector.load %arg7[%get3A_30, %get3A_31] : memref<1x192xf32, #tpu.memory_space<vmem>>, vector<1x192xf32>
    %add3A_33 = vector.broadcast %get3A_32 : vector<1x192xf32> to vector<4096x192xf32>
    %add3A_34 = arith.addf %dot_general3A_29, %add3A_33 : vector<4096x192xf32>
    %swap3A_35 = arith.constant 0 : index
    %swap3A_36 = arith.constant 0 : index
    %swap3A_37 = vector.load %arg11[%swap3A_35, %swap3A_36] : memref<4096x192xf32, #tpu.memory_space<vmem>>, vector<4096x192xf32>
    tpu.vector_store %arg11[%swap3A_35, %swap3A_36], %add3A_34 {strides = array<i32>} : memref<4096x192xf32, #tpu.memory_space<vmem>>, vector<4096x192xf32>,
    %scan3A = arith.constant 0 : i32
    %scan3A_38 = arith.constant 64 : i32
    %scan3A_39 = arith.addi %scan3A, %scan3A_38 : i32
    %scan3A_40 = arith.constant 1 : i32
    scf.for %scan3A_42 = %scan3A to %scan3A_39 step %scan3A_40  : i32 {
      %mul3A = arith.constant 64 : i32
      %mul3A_43 = arith.muli %scan3A_42, %mul3A : i32
      %get3A_44 = arith.index_cast %mul3A_43 : i32 to index
      %get3A_45 = arith.constant 0 : index
      %get3A_46 = vector.load %arg9[%get3A_44, %get3A_45] : memref<4096x192xf32, #tpu.memory_space<vmem>>, vector<64x192xf32>
      %mul3A_47 = arith.constant 64 : i32
      %mul3A_48 = arith.muli %scan3A_42, %mul3A_47 : i32
      %get3A_49 = arith.index_cast %mul3A_48 : i32 to index
      %get3A_50 = arith.constant 0 : index
      %get3A_51 = vector.load %arg10[%get3A_49, %get3A_50] : memref<4096x192xf32, #tpu.memory_space<vmem>>, vector<64x192xf32>
      %mul3A_52 = arith.constant 64 : i32
      %mul3A_53 = arith.muli %scan3A_42, %mul3A_52 : i32
      %get3A_54 = arith.index_cast %mul3A_53 : i32 to index
      %get3A_55 = arith.constant 0 : index
      %get3A_56 = vector.load %arg11[%get3A_54, %get3A_55] : memref<4096x192xf32, #tpu.memory_space<vmem>>, vector<64x192xf32>
      %dot_general3A_57 = arith.constant dense<0.000000e+00> : vector<64x64xf32>
      %dot_general3A_58 = tpu.matmul %get3A_46, %get3A_51, %dot_general3A_57 {dimension_numbers = #tpu.dot_dimension_numbers<[1], [1], [0], [0], [0, 0, 1, 0], [], []>, transpose_lhs_hint = false} : vector<64x192xf32>, vector<64x192xf32>, vector<64x64xf32> -> vector<64x64xf32>
      %reduce_max3A = arith.constant dense<0xFF800000> : vector<64xf32>
      %reduce_max3A_59 = vector.multi_reduction <maximumf>, %dot_general3A_58, %reduce_max3A [1] : vector<64x64xf32> to vector<64xf32>
      %broadcast_in_dim3A = vector.shape_cast %reduce_max3A_59 : vector<64xf32> to vector<64x1xf32>
      %sub3A = vector.broadcast %broadcast_in_dim3A : vector<64x1xf32> to vector<64x64xf32>
      %sub3A_60 = arith.subf %dot_general3A_58, %sub3A : vector<64x64xf32>
      %exp3A = math.exp %sub3A_60 : vector<64x64xf32>
      %reduce_sum3A = arith.constant dense<0.000000e+00> : vector<64xf32>
      %reduce_sum3A_61 = vector.multi_reduction <add>, %exp3A, %reduce_sum3A [1] : vector<64x64xf32> to vector<64xf32>
      %broadcast_in_dim3A_62 = vector.shape_cast %reduce_sum3A_61 : vector<64xf32> to vector<64x1xf32>
      %div3A = vector.broadcast %broadcast_in_dim3A_62 : vector<64x1xf32> to vector<64x64xf32>
      %div3A_63 = arith.divf %exp3A, %div3A : vector<64x64xf32>
      %dot_general3A_64 = arith.constant dense<0.000000e+00> : vector<64x192xf32>
      %dot_general3A_65 = tpu.matmul %div3A_63, %get3A_56, %dot_general3A_64 {dimension_numbers = #tpu.dot_dimension_numbers<[1], [0], [0], [1], [0, 0, 1, 1], [], []>, transpose_lhs_hint = false} : vector<64x64xf32>, vector<64x192xf32>, vector<64x192xf32> -> vector<64x192xf32>
      %mul3A_66 = arith.constant 64 : i32
      %mul3A_67 = arith.muli %scan3A_42, %mul3A_66 : i32
      %swap3A_68 = arith.index_cast %mul3A_67 : i32 to index
      %swap3A_69 = arith.constant 0 : index
      %swap3A_70 = vector.load %arg8[%swap3A_68, %swap3A_69] : memref<4096x192xf32, #tpu.memory_space<vmem>>, vector<64x192xf32>
      tpu.vector_store %arg8[%swap3A_68, %swap3A_69], %dot_general3A_65 {strides = array<i32>} : memref<4096x192xf32, #tpu.memory_space<vmem>>, vector<64x192xf32>,
    }
    %scan3A_41 = arith.constant 64 : i32
    return
  }
  func.func @transform_0(%arg0: i32) -> (i32, i32) {
    %c0_i32 = arith.constant 0 : i32
    %c0_i32_0 = arith.constant 0 : i32
    return %arg0, %c0_i32 : i32, i32
  }
  func.func @transform_1(%arg0: i32) -> (i32, i32) {
    %c0_i32 = arith.constant 0 : i32
    %c0_i32_0 = arith.constant 0 : i32
    %c0_i32_1 = arith.constant 0 : i32
    return %c0_i32, %c0_i32_0 : i32, i32
  }
  func.func @transform_2(%arg0: i32) -> (i32, i32) {
    %c0_i32 = arith.constant 0 : i32
    %c0_i32_0 = arith.constant 0 : i32
    %c0_i32_1 = arith.constant 0 : i32
    return %c0_i32, %c0_i32_0 : i32, i32
  }
  func.func @transform_3(%arg0: i32) -> (i32, i32) {
    %c0_i32 = arith.constant 0 : i32
    %c0_i32_0 = arith.constant 0 : i32
    %c0_i32_1 = arith.constant 0 : i32
    return %c0_i32, %c0_i32_0 : i32, i32
  }
  func.func @transform_4(%arg0: i32) -> (i32, i32) {
    %c0_i32 = arith.constant 0 : i32
    %c0_i32_0 = arith.constant 0 : i32
    %c0_i32_1 = arith.constant 0 : i32
    return %c0_i32, %c0_i32_0 : i32, i32
  }
  func.func @transform_5(%arg0: i32) -> (i32, i32) {
    %c0_i32 = arith.constant 0 : i32
    %c0_i32_0 = arith.constant 0 : i32
    %c0_i32_1 = arith.constant 0 : i32
    return %c0_i32, %c0_i32_0 : i32, i32
  }
  func.func @transform_6(%arg0: i32) -> (i32, i32) {
    %c0_i32 = arith.constant 0 : i32
    %c0_i32_0 = arith.constant 0 : i32
    %c0_i32_1 = arith.constant 0 : i32
    return %c0_i32, %c0_i32_0 : i32, i32
  }
  func.func @transform_7(%arg0: i32) -> (i32, i32) {
    %c0_i32 = arith.constant 0 : i32
    %c0_i32_0 = arith.constant 0 : i32
    return %arg0, %c0_i32 : i32, i32
  }
}

</mosaic_0001>

<sc_bundles>
// kernel: sparse-core-data-format-call.1.cloned.1.call-start
scs
called_computation.1_lowered:
.L_overlay_start_0:
0x0: {  	s1 =	sld [smem:$0x3FD9]  }
0x1: {  	s2 =	sld [smem:$0x3FFE];
	_ =	sdelay $0x1  }
0x2: {  	s3 =	srdreg.scid  }
0x3: {  	s0 =	sand.u32 $0x1, s3  }
0x4: {  	s17 =	sshll.u32 s0, $0xA;
	s1 =	sadd.s32 s2, s1  }
0x5: {  	s1 =	sadd.s32 s1, s17  }
0x6: {  	[smem:$0x3FC1] =	sst s1  }
0x7: {  	_ = 	snop  }
0x8: {  	(tm) =	ssettm $0x1  }
0x9: {  	s18 =	sld [smem:$0x3FFB];
	_ =	sdelay $0x3  }
0xa: {  	_ =	strace s18  }
0xb: {  	s1 =	sld [smem:$0x3FFC];
	_ =	sdelay $0x3  }
0xc: {  	_ =	strace s1  }
0xd: {  	s1 =	sld [smem:$0x3FFD];
	_ =	sdelay $0x3  }
0xe: {  	_ =	strace s1  }
0xf: {  	_ =	strace $0x8FFFFFFF  }
0x10: {  	s19 =	sld [smem:$0x3FDB];
	_ =	sdelay $0x1  }
0x11: {  	s20 =	simm.s32 $_scs_section_size  }
0x12: {  	s4 =	simm.s32 $_size__tile_overlayer_lowered;
	s5 =	simm.s32 $_tile_overlayer_lowered  }
0x13: {  	s23 =	simm.s32 $0x1BFF;
	s22 =	sshll.u32 s5, $0x1;
	s1 =	sadd.s32 s20, s19  }
0x14: {  	s6 =	simm.s32 $0x0;
	s21 =	sshll.u32 s4, $0x1;
	s4 =	sadd.s32 s22, s1  }
0x15: {  	[timem:s6], [sflag:s23] =	dma.local [hbm:s4], s21  }
0x16: {  	_ =	swait.ge [sflag:s23], s21  }
0x17: {  	s2 =	ssub.s32 $0x0, s21;
	[sflag:s23] =	ssyncset.done $0x0  }
0x18: {  	[sflag:s23] =	ssyncadd.s32 s2;
	_ =	sdelay $0x1  }
0x19: {  	s24 =	simm.s32 $0x1B8B  }
0x1a: {  	_ =	swait.ge [sflag:s24], $0x1  }
0x1b: {  	[sflag:s24] =	ssyncset.done $0x0  }
0x1c: {  	s26 =	simm.s32 $0x1B8E;
	s25 =	sld [smem:$0x3FFE];
	[sflag:s24] =	ssyncadd.s32 $0xFFFFFFFF  }
0x1d: {  	s27 =	simm.s32 $execute0_lowered;
	[smem:$0x3FD2] =	sst s26  }
0x1e: {  	s4 =	sshll.u32 s27, $0x1;
	_ =	strace $0x80000049;
	[dreg:$0x1] =	wrdreg $0xFFFFFFFF  }
0x1f: {  	s28 =	simm.s32 $_size_execute0_lowered;
	s1 =	sadd.s32 s1, s4;
	[dreg:$0x0] =	wrdreg $0x0  }
0x20: {  	s4 =	sshll.u32 s28, $0x1;
	[dreg:$0x2] =	wrdreg s1  }
0x21: {  	[dreg:$0x3] =	wrdreg s4  }
0x22: {  	[dreg:$0x4] =	wrdreg $0xC0  }
0x23: {  	_ =	task [dreg:s6], $0x5FFFF  }
0x24: {  	[dreg:$0x1] =	wrdreg $0xFFFFFFFF  }
0x25: {  	[dreg:$0x0] =	wrdreg $0x60  }
0x26: {  	[dreg:$0x2] =	wrdreg s25  }
0x27: {  	[dreg:$0x3] =	wrdreg $0x9  }
0x28: {  	_ =	task.clear_ibuf [dreg:s6], $0x4FFFF;
	_ =	strace $0x90000049  }
0x29: {  	s29 =	simm.s32 $0x9;
	_ =	strace $0x8000004B  }
0x2a: {  	_ =	swait.ge [sflag:s29], $0x1  }
0x2b: {  	[sflag:s29] =	ssyncadd.s32 $0xFFFFFFFF  }
0x2c: {  	_ =	strace $0x9000004B  }
0x2d: {  	_ =	sfence  }
0x2e: {  	s30 =	sld [smem:$0x0];
	_ =	sdelay $0x2  }
0x2f: {  	s31 =	sshll.u32 s3, $0xD;
	s3 =	sshrl.u32 s3, $0x2  }
0x30: {  	s2 =	sand.u32 $0x4000, s31;
	s1 =	sadd.s32 s3, s30  }
0x31: {  	s0 =	sor.u32 s2, s0;
	s1 =	sshll.u32 s1, $0x11  }
0x32: {  	s0 =	sor.u32 s1, s0  }
0x33: {  	s0 =	sadd.s32 $0x8F2B, s0  }
0x34: {  	[sflag:s0] =	ssyncadd.remote.s32 $0x1  }
0x35: {  	_ =	sfence.sel $0xFFFF  }
0x36: {  	[dreg:$0x0] =	wrdreg $0xFFFFFFFF;
	(pc) =	sbr.abs _section_cstart, $3  }
0x37: {  	[dreg:$0x1] =	wrdreg $0xFFFFFFFF  }
0x38: {  	_ =	task.clear_ibuf [dreg:s6], $0x2FFFF;
	_ =	strace $0x9FFFFFFF  }
0x39: {  	(tm) =	ssettm $0x7FFFFFFF  }
tec
execute0_lowered:
.L_overlay_start_1:
0x0: {  	(tag) =	ssettag $0x1  }
0x1: {  	s1 =	rddreg [dreg:$0x0]  }
0x2: {  	s0 =	rddreg [dreg:$0x1];
	s3 =	srdreg.scid  }
0x3: {  	_ =	strace $0x8000004A;
	s5 =	simm.s32 $0x1;
	s7 =	simm.s32 $0x2  }
0x4: {  	s13 =	simm.s32 $0x0;
	p0 =	por $0x0, $0x0;
	s8 =	simm.s32 $0x18000  }
0x5: {  	s14 =	simm.s32 $0x0;
	s15 =	simm.s32 $0x0;
	s10 =	simm.s32 $0x0  }
.Ltmp0:
0x6: {  	s2 =	sadd.s32 $0x1800, s1;
	s4 =	sshll.u32 s3, $0x4;
	(pc) =	sbr.rel .LBB1_1-.Ltmp0, $4  }
0x7: {  	s3 =	sadd.s32 $0x1201800, s1;
	s1 =	stileid.u32;
	s4 =	sand.u32 $0x10, s4  }
0x8: {  	s9 =	simm.s32 $0x0;
	[sflag:s5] =	ssyncpa.u1 $0x0;
	s6 =	sor.u32 s1, s4  }
0x9: {  	[sflag:s7] =	ssyncpa.u1 $0x0;
	s4 =	sand.u32 $0x3, s1;
	s6 =	sshrl.u32 s6, $0x2  }
0xa: {  	s7 =	simm.s32 $0x800;
	s12 =	smov.u32 s4;
	s11 =	smov.u32 s6  }
.LBB1_7:
0xb: {  	s16 =	sadd.s32 $0x1, s10  }
0xc: {  	s13 =	sadd.s32 $0x8, s11;
	s17 =	smov.u32 s11;
	p2 =	sgt.s32 s16, $0x2F  }
0xd: {  	s17 =	smov.u32 @p2 s13  }
0xe: {  	s19 =	smov.u32 s12;
	s13 =	sadd.s32 $0x4, s12;
	p3 =	sgt.s32 s17, $0x2F  }
0xf: {  	p1 =	slt.u32 s9, $0x2;
	s19 =	smov.u32 @p3 s13  }
0x10: {  	s9 =	sadd.s32 $0x1, s9;
	s16 =	simm.s32 @p2 $0x0;
	p2 =	sgt.s32 s19, $0x3  }
0x11: {  	s19 =	smov.u32 @p2 s4;
	p2 =	sne.s32 s9, $0x122  }
.Ltmp1:
0x12: {  	s18 =	simm.s32 @!p1 $0x2;
	(pc) =	sbr.rel @!p2 .LBB1_8-.Ltmp1, $4  }
0x13: {  	s14 =	smov.u32 s11;
	_ =	swait.ge @!p1 [sflag:s18], $0x4000  }
0x14: {  	s15 =	smov.u32 s12;
	p0 =	por !p0, !p0;
	[sflag:s18] =	ssyncset.done @!p1 $0x0  }
0x15: {  	s17 =	smov.u32 @p3 s6;
	s13 =	smov.u32 s10;
	[sflag:s18] =	ssyncadd.s32 @!p1 $0xFFFFC000  }
0x16: {  	s10 =	smov.u32 s16;
	s11 =	smov.u32 s17;
	s12 =	smov.u32 s19  }
.LBB1_1:
0x17: {  	p1 =	sgt.u32 s9, $0x11F  }
0x18: {  	s16 =	smul.u32 @!p1 $0x480000, s12  }
0x19: {  	s17 =	smul.u32 @!p1 $0x18000, s11  }
0x1a: {  	s18 =	sxor.u32 @!p1 $0xFFFFFFFF, s9;
	s16 =	sadd.s32 @!p1 s2, s16  }
0x1b: {  	s19 =	sshll.u32 @!p1 s10, $0xB;
	s18 =	sshll.u32 @!p1 s18, $0xE;
	s16 =	sadd.s32 @!p1 s17, s16  }
0x1c: {  	s17 =	sand.u32 @!p1 $0x4000, s18;
	s18 =	simm.s32 @!p1 $0x0;
	s16 =	sadd.s32 @!p1 s19, s16  }
0x1d: {  	[tilespmem:s17], [sflag:$0x1] =	stream.linear.gather @!p1 [hbm4b:s16+s18], $0x4000, $0x38;
	[tilespmem:$0x10000] =	vst v63  }
0x1e: {  	p1 =	seq.s32 s9, $0x0  }
0x1f: {  	p2 =	seq.s32 @!p1 s9, $0x121  }
0x20: {  	p1 =	por p1, p2  }
.Ltmp2:
0x21: {  	_ = 	snop;
	(pc) =	sbr.rel @p1 .LBB1_7-.Ltmp2, $1  }
0x22: {  	_ =	sdelay $0x3  }
0x23: {  	s16 =	simm.s32 $0x1;
	_ =	swait.ge [sflag:s5], $0x4000;
	s19 =	sshll.u32 s9, $0xE  }
0x24: {  	s16 =	simm.s32 @!p0 $0x0;
	[sflag:s5] =	ssyncset.done $0x0;
	s31 =	sand.u32 $0x4000, s19  }
0x25: {  	s19 =	simm.s32 $0x0;
	s16 =	sshll.u32 s16, $0xE;
	[sflag:s5] =	ssyncadd.s32 $0xFFFFC000  }
0x26: {  	s17 =	sor.u32 $0x400, s16;
	s18 =	sor.u32 $0x8470, s16;
	s16 =	sor.u32 $0x8000, s31  }
.LBB1_3:
0x27: {  	v1 =	vmov s17;
	_ =	sdelay $0x3  }
0x28: {  	s20 =	simm.s32 $0x0  }
0x29: {  	v2 =	vld.idx.msk [tilespmem:v1+s20+$0x70 ss:$0x1], $0xffff  }
0x2a: {  	v0 =	vmov s18;
	v3 =	vld.idx.msk [tilespmem:v1+s20+$0xFFFFFC00 ss:$0x1], $0xffff  }
0x2b: {  	v4 =	vld.idx.msk [tilespmem:v1+s20+$0xFFFFFC10 ss:$0x1], $0xffff  }
0x2c: {  	v5 =	vld.idx.msk [tilespmem:v1+s20+$0xFFFFFC20 ss:$0x1], $0xffff  }
0x2d: {  	v6 =	vld.idx.msk [tilespmem:v1+s20+$0xFFFFFC30 ss:$0x1], $0xffff  }
0x2e: {  	v7 =	vld.idx.msk [tilespmem:v1+s20+$0xFFFFFC40 ss:$0x1], $0xffff  }
0x2f: {  	v8 =	vld.idx.msk [tilespmem:v1+s20+$0xFFFFFC50 ss:$0x1], $0xffff;
	[tilespmem:v0+s20+$0x0 ss:$0x1] =	vst.idx.msk $0xffff, v2  }
0x30: {  	v9 =	vld.idx.msk [tilespmem:v1+s20+$0xFFFFFC60 ss:$0x1], $0xffff;
	[tilespmem:v0+s20+$0xFFFFFB90 ss:$0x1] =	vst.idx.msk $0xffff, v3  }
0x31: {  	v10 =	vld.idx.msk [tilespmem:v1+s20+$0xFFFFFC70 ss:$0x1], $0xffff;
	[tilespmem:v0+s20+$0xFFFFFBA0 ss:$0x1] =	vst.idx.msk $0xffff, v4  }
0x32: {  	v11 =	vld.idx.msk [tilespmem:v1+s20+$0x0 ss:$0x1], $0xffff;
	[tilespmem:v0+s20+$0xFFFFFBB0 ss:$0x1] =	vst.idx.msk $0xffff, v5  }
0x33: {  	[tilespmem:v0+s20+$0xFFFFFBC0 ss:$0x1] =	vst.idx.msk $0xffff, v6;
	v2 =	vld.idx.msk [tilespmem:v1+s20+$0x10 ss:$0x1], $0xffff  }
0x34: {  	[tilespmem:v0+s20+$0xFFFFFBD0 ss:$0x1] =	vst.idx.msk $0xffff, v7;
	v3 =	vld.idx.msk [tilespmem:v1+s20+$0x20 ss:$0x1], $0xffff  }
0x35: {  	[tilespmem:v0+s20+$0xFFFFFBE0 ss:$0x1] =	vst.idx.msk $0xffff, v8;
	v4 =	vld.idx.msk [tilespmem:v1+s20+$0x30 ss:$0x1], $0xffff  }
0x36: {  	[tilespmem:v0+s20+$0xFFFFFBF0 ss:$0x1] =	vst.idx.msk $0xffff, v9;
	v5 =	vld.idx.msk [tilespmem:v1+s20+$0x40 ss:$0x1], $0xffff  }
0x37: {  	[tilespmem:v0+s20+$0xFFFFFC00 ss:$0x1] =	vst.idx.msk $0xffff, v10;
	v6 =	vld.idx.msk [tilespmem:v1+s20+$0x50 ss:$0x1], $0xffff  }
0x38: {  	s21 =	simm.s32 $0x80;
	s22 =	simm.s32 $0x400;
	[tilespmem:v0+s20+$0xFFFFFF90 ss:$0x1] =	vst.idx.msk $0xffff, v11;
	v7 =	vld.idx.msk [tilespmem:v1+s20+$0x60 ss:$0x1], $0xffff  }
.LBB1_4:
0x39: {  	p1 =	sne.s32 s22, $0xE00;
	v8 =	vld.idx.msk [tilespmem:v1+s21+$0x70 ss:$0x1], $0xffff;
	[tilespmem:v0+s20+$0xFFFFFFA0 ss:$0x1] =	vst.idx.msk $0xffff, v2  }
0x3a: {  	v2 =	vld.idx.msk [tilespmem:v1+s21+$0xFFFFFC00 ss:$0x1], $0xffff;
	[tilespmem:v0+s20+$0xFFFFFFB0 ss:$0x1] =	vst.idx.msk $0xffff, v3  }
0x3b: {  	v3 =	vld.idx.msk [tilespmem:v1+s21+$0xFFFFFC10 ss:$0x1], $0xffff;
	[tilespmem:v0+s20+$0xFFFFFFC0 ss:$0x1] =	vst.idx.msk $0xffff, v4  }
0x3c: {  	v4 =	vld.idx.msk [tilespmem:v1+s21+$0xFFFFFC20 ss:$0x1], $0xffff;
	[tilespmem:v0+s20+$0xFFFFFFD0 ss:$0x1] =	vst.idx.msk $0xffff, v5  }
0x3d: {  	v5 =	vld.idx.msk [tilespmem:v1+s21+$0xFFFFFC30 ss:$0x1], $0xffff;
	[tilespmem:v0+s20+$0xFFFFFFE0 ss:$0x1] =	vst.idx.msk $0xffff, v6  }
0x3e: {  	v6 =	vld.idx.msk [tilespmem:v1+s21+$0xFFFFFC40 ss:$0x1], $0xffff;
	[tilespmem:v0+s20+$0xFFFFFFF0 ss:$0x1] =	vst.idx.msk $0xffff, v7;
	s20 =	smov.u32 s21  }
0x3f: {  	v7 =	vld.idx.msk [tilespmem:v1+s20+$0xFFFFFC50 ss:$0x1], $0xffff;
	[tilespmem:v0+s20+$0x0 ss:$0x1] =	vst.idx.msk $0xffff, v8  }
0x40: {  	[tilespmem:v0+s20+$0xFFFFFB90 ss:$0x1] =	vst.idx.msk $0xffff, v2;
	v8 =	vld.idx.msk [tilespmem:v1+s20+$0xFFFFFC60 ss:$0x1], $0xffff  }
0x41: {  	[tilespmem:v0+s20+$0xFFFFFBA0 ss:$0x1] =	vst.idx.msk $0xffff, v3;
	v9 =	vld.idx.msk [tilespmem:v1+s20+$0xFFFFFC70 ss:$0x1], $0xffff  }
0x42: {  	[tilespmem:v0+s20+$0xFFFFFBB0 ss:$0x1] =	vst.idx.msk $0xffff, v4;
	v10 =	vld.idx.msk [tilespmem:v1+s20+$0x0 ss:$0x1], $0xffff  }
0x43: {  	[tilespmem:v0+s20+$0xFFFFFBC0 ss:$0x1] =	vst.idx.msk $0xffff, v5;
	v2 =	vld.idx.msk [tilespmem:v1+s20+$0x10 ss:$0x1], $0xffff  }
.Ltmp3:
0x44: {  	[tilespmem:v0+s20+$0xFFFFFBD0 ss:$0x1] =	vst.idx.msk $0xffff, v6;
	v3 =	vld.idx.msk [tilespmem:v1+s20+$0x20 ss:$0x1], $0xffff;
	(pc) =	sbr.rel @p1 .LBB1_4-.Ltmp3, $4  }
0x45: {  	[tilespmem:v0+s20+$0xFFFFFBE0 ss:$0x1] =	vst.idx.msk $0xffff, v7;
	v4 =	vld.idx.msk [tilespmem:v1+s20+$0x30 ss:$0x1], $0xffff  }
0x46: {  	[tilespmem:v0+s20+$0xFFFFFBF0 ss:$0x1] =	vst.idx.msk $0xffff, v8;
	v5 =	vld.idx.msk [tilespmem:v1+s20+$0x40 ss:$0x1], $0xffff  }
0x47: {  	[tilespmem:v0+s20+$0xFFFFFC00 ss:$0x1] =	vst.idx.msk $0xffff, v9;
	v6 =	vld.idx.msk [tilespmem:v1+s20+$0x50 ss:$0x1], $0xffff  }
0x48: {  	s21 =	sshra.s32 s22, $0x2;
	s22 =	sadd.s32 $0x200, s22;
	[tilespmem:v0+s20+$0xFFFFFF90 ss:$0x1] =	vst.idx.msk $0xffff, v10;
	v7 =	vld.idx.msk [tilespmem:v1+s20+$0x60 ss:$0x1], $0xffff  }
0x49: {  	_ =	sdelay $0x3  }
0x4a: {  	[tilespmem:v0+s20+$0xFFFFFFA0 ss:$0x1] =	vst.idx.msk $0xffff, v2  }
0x4b: {  	v48 =	vld.idx.msk [tilespmem:v1+s21+$0x70 ss:$0x1], $0xffff;
	[tilespmem:v0+s20+$0xFFFFFFB0 ss:$0x1] =	vst.idx.msk $0xffff, v3  }
0x4c: {  	v49 =	vld.idx.msk [tilespmem:v1+s21+$0xFFFFFC00 ss:$0x1], $0xffff;
	[tilespmem:v0+s20+$0xFFFFFFC0 ss:$0x1] =	vst.idx.msk $0xffff, v4  }
0x4d: {  	v50 =	vld.idx.msk [tilespmem:v1+s21+$0xFFFFFC10 ss:$0x1], $0xffff;
	[tilespmem:v0+s20+$0xFFFFFFD0 ss:$0x1] =	vst.idx.msk $0xffff, v5  }
0x4e: {  	v51 =	vld.idx.msk [tilespmem:v1+s21+$0xFFFFFC20 ss:$0x1], $0xffff;
	[tilespmem:v0+s20+$0xFFFFFFE0 ss:$0x1] =	vst.idx.msk $0xffff, v6  }
0x4f: {  	v52 =	vld.idx.msk [tilespmem:v1+s21+$0xFFFFFC30 ss:$0x1], $0xffff;
	[tilespmem:v0+s20+$0xFFFFFFF0 ss:$0x1] =	vst.idx.msk $0xffff, v7  }
0x50: {  	v53 =	vld.idx.msk [tilespmem:v1+s21+$0xFFFFFC40 ss:$0x1], $0xffff;
	[tilespmem:v0+s21+$0x0 ss:$0x1] =	vst.idx.msk $0xffff, v48  }
0x51: {  	v54 =	vld.idx.msk [tilespmem:v1+s21+$0xFFFFFC50 ss:$0x1], $0xffff;
	[tilespmem:v0+s21+$0xFFFFFB90 ss:$0x1] =	vst.idx.msk $0xffff, v49  }
0x52: {  	v55 =	vld.idx.msk [tilespmem:v1+s21+$0xFFFFFC60 ss:$0x1], $0xffff;
	[tilespmem:v0+s21+$0xFFFFFBA0 ss:$0x1] =	vst.idx.msk $0xffff, v50  }
0x53: {  	v56 =	vld.idx.msk [tilespmem:v1+s21+$0xFFFFFC70 ss:$0x1], $0xffff;
	[tilespmem:v0+s21+$0xFFFFFBB0 ss:$0x1] =	vst.idx.msk $0xffff, v51  }
0x54: {  	v57 =	vld.idx.msk [tilespmem:v1+s21+$0x0 ss:$0x1], $0xffff;
	[tilespmem:v0+s21+$0xFFFFFBC0 ss:$0x1] =	vst.idx.msk $0xffff, v52  }
0x55: {  	v58 =	vld.idx.msk [tilespmem:v1+s21+$0x10 ss:$0x1], $0xffff;
	[tilespmem:v0+s21+$0xFFFFFBD0 ss:$0x1] =	vst.idx.msk $0xffff, v53  }
0x56: {  	v59 =	vld.idx.msk [tilespmem:v1+s21+$0x20 ss:$0x1], $0xffff;
	[tilespmem:v0+s21+$0xFFFFFBE0 ss:$0x1] =	vst.idx.msk $0xffff, v54  }
0x57: {  	v60 =	vld.idx.msk [tilespmem:v1+s21+$0x30 ss:$0x1], $0xffff;
	[tilespmem:v0+s21+$0xFFFFFBF0 ss:$0x1] =	vst.idx.msk $0xffff, v55  }
0x58: {  	v61 =	vld.idx.msk [tilespmem:v1+s21+$0x40 ss:$0x1], $0xffff;
	[tilespmem:v0+s21+$0xFFFFFC00 ss:$0x1] =	vst.idx.msk $0xffff, v56  }
0x59: {  	v62 =	vld.idx.msk [tilespmem:v1+s21+$0x50 ss:$0x1], $0xffff;
	s19 =	sadd.s32 $0x1, s19;
	[tilespmem:v0+s21+$0xFFFFFF90 ss:$0x1] =	vst.idx.msk $0xffff, v57  }
0x5a: {  	v63 =	vld.idx.msk [tilespmem:v1+s21+$0x60 ss:$0x1], $0xffff;
	p1 =	sne.s32 s19, $0x8;
	[tilespmem:v0+s21+$0xFFFFFFA0 ss:$0x1] =	vst.idx.msk $0xffff, v58  }
.Ltmp4:
0x5b: {  	[tilespmem:v0+s21+$0xFFFFFFB0 ss:$0x1] =	vst.idx.msk $0xffff, v59;
	(pc) =	sbr.rel @p1 .LBB1_3-.Ltmp4, $4  }
0x5c: {  	[tilespmem:v0+s21+$0xFFFFFFC0 ss:$0x1] =	vst.idx.msk $0xffff, v60  }
0x5d: {  	[tilespmem:v0+s21+$0xFFFFFFD0 ss:$0x1] =	vst.idx.msk $0xffff, v61  }
0x5e: {  	[tilespmem:v0+s21+$0xFFFFFFE0 ss:$0x1] =	vst.idx.msk $0xffff, v62  }
0x5f: {  	s17 =	sadd.s32 $0x800, s17;
	s18 =	sadd.s32 $0x800, s18;
	[tilespmem:v0+s21+$0xFFFFFFF0 ss:$0x1] =	vst.idx.msk $0xffff, v63  }
0x60: {  	s15 =	smul.u32 $0x480000, s15  }
0x61: {  	s14 =	smul.u32 $0x18000, s14  }
.Ltmp5:
0x62: {  	_ = 	snop;
	(pc) =	sbr.rel .LBB1_7-.Ltmp5, $4  }
0x63: {  	s15 =	sadd.s32 s3, s15  }
0x64: {  	s13 =	sshll.u32 s13, $0x8;
	s14 =	sadd.s32 s14, s15  }
0x65: {  	s13 =	sadd.s32 s13, s14  }
0x66: {  	[hbm4b:s13+s7] =	stream.strided.scatter [tilespmem:s16], [sflag:$0x2], $0x4000, s8, s7, $0x38;
	[tilespmem:$0x10000] =	vst v63  }
.LBB1_8:
0x67: {  	_ =	sfence.sel $0x180000  }
0x68: {  	s2 =	simm.s32 $0x1;
	[bflag:$0x0] =	sbarrier.arrive $0xFFFF  }
0x69: {  	s31 =	simm.s32 $0x2;
	[sflag:s2] =	ssyncpa.u1 $0x1  }
0x6a: {  	[sflag:s31] =	ssyncpa.u1 $0x1  }
0x6b: {  	p0 =	sne.s32 s1, $0x0;
	_ =	strace $0x9000004A  }
0x6c: {  	s0 =	sadd.s32 @!p0 $0x100000, s0;
	[bflag:$0x2] =	sbarrier.arrive $0xFFFF  }
0x6d: {  	[sflag:s0] =	ssyncadd.tile.s32 @!p0 $0x1;
	_ =	shalt  }
.Lfunc_end1:
_tile_overlayer_lowered:
.L_overlay_start_2:
0x6e: {  	(tag) =	ssettag $0x2  }
0x6f: {  	s0 =	rddreg [dreg:$0x0];
	s2 =	stileid.u32  }
0x70: {  	s1 =	rddreg [dreg:$0x1];
	p0 =	sne.s32 s2, $0x0  }
0x71: {  	s3 =	rddreg [dreg:$0x2];
	[bflag:$0x3] =	sbarrier.arrive $0xFFFF;
	s2 =	simm.s32 @!p0 $0x1C01  }
0x72: {  	[timem:s3], [sflag:s2] =	dma.local @!p0 [hbm:s0], s1  }
0x73: {  	s0 =	simm.s32 @!p0 $0x1  }
0x74: {  	_ =	swait.ge @!p0 [sflag:s0], s1  }
0x75: {  	s1 =	ssub.s32 @!p0 $0x0, s1;
	[sflag:s0] =	ssyncset.done @!p0 $0x0  }
0x76: {  	[sflag:s0] =	ssyncadd.s32 @!p0 s1  }
0x77: {  	[bflag:$0x3] =	sbarrier.arrive $0xFFFF  }
0x78: {  	_ =	shalt  }

// kernel: sparse-core-data-format-call.2.cloned.1.call-start
scs
called_computation.2_lowered:
.L_overlay_start_0:
0x0: {  	s1 =	sld [smem:$0x3FD9]  }
0x1: {  	s2 =	sld [smem:$0x3FFE];
	_ =	sdelay $0x1  }
0x2: {  	s3 =	srdreg.scid  }
0x3: {  	s0 =	sand.u32 $0x1, s3  }
0x4: {  	s17 =	sshll.u32 s0, $0xA;
	s1 =	sadd.s32 s2, s1  }
0x5: {  	s1 =	sadd.s32 s1, s17  }
0x6: {  	[smem:$0x3FC1] =	sst s1  }
0x7: {  	_ = 	snop  }
0x8: {  	(tm) =	ssettm $0x1  }
0x9: {  	s18 =	sld [smem:$0x3FFB];
	_ =	sdelay $0x3  }
0xa: {  	_ =	strace s18  }
0xb: {  	s1 =	sld [smem:$0x3FFC];
	_ =	sdelay $0x3  }
0xc: {  	_ =	strace s1  }
0xd: {  	s1 =	sld [smem:$0x3FFD];
	_ =	sdelay $0x3  }
0xe: {  	_ =	strace s1  }
0xf: {  	_ =	strace $0x8FFFFFFF  }
0x10: {  	s19 =	sld [smem:$0x3FDB];
	_ =	sdelay $0x1  }
0x11: {  	s20 =	simm.s32 $_scs_section_size  }
0x12: {  	s4 =	simm.s32 $_size__tile_overlayer_lowered;
	s5 =	simm.s32 $_tile_overlayer_lowered  }
0x13: {  	s23 =	simm.s32 $0x1BFF;
	s22 =	sshll.u32 s5, $0x1;
	s1 =	sadd.s32 s20, s19  }
0x14: {  	s6 =	simm.s32 $0x0;
	s21 =	sshll.u32 s4, $0x1;
	s4 =	sadd.s32 s22, s1  }
0x15: {  	[timem:s6], [sflag:s23] =	dma.local [hbm:s4], s21  }
0x16: {  	_ =	swait.ge [sflag:s23], s21  }
0x17: {  	s2 =	ssub.s32 $0x0, s21;
	[sflag:s23] =	ssyncset.done $0x0  }
0x18: {  	[sflag:s23] =	ssyncadd.s32 s2;
	_ =	sdelay $0x1  }
0x19: {  	s24 =	simm.s32 $0x1B8B  }
0x1a: {  	_ =	swait.ge [sflag:s24], $0x1  }
0x1b: {  	[sflag:s24] =	ssyncset.done $0x0  }
0x1c: {  	s26 =	simm.s32 $0x1B8E;
	s25 =	sld [smem:$0x3FFE];
	[sflag:s24] =	ssyncadd.s32 $0xFFFFFFFF  }
0x1d: {  	s27 =	simm.s32 $execute0_lowered;
	[smem:$0x3FD2] =	sst s26  }
0x1e: {  	s4 =	sshll.u32 s27, $0x1;
	_ =	strace $0x80000046;
	[dreg:$0x1] =	wrdreg $0xFFFFFFFF  }
0x1f: {  	s28 =	simm.s32 $_size_execute0_lowered;
	s1 =	sadd.s32 s1, s4;
	[dreg:$0x0] =	wrdreg $0x0  }
0x20: {  	s4 =	sshll.u32 s28, $0x1;
	[dreg:$0x2] =	wrdreg s1  }
0x21: {  	[dreg:$0x3] =	wrdreg s4  }
0x22: {  	[dreg:$0x4] =	wrdreg $0xC0  }
0x23: {  	_ =	task [dreg:s6], $0x5FFFF  }
0x24: {  	[dreg:$0x1] =	wrdreg $0xFFFFFFFF  }
0x25: {  	[dreg:$0x0] =	wrdreg $0x60  }
0x26: {  	[dreg:$0x2] =	wrdreg s25  }
0x27: {  	[dreg:$0x3] =	wrdreg $0x9  }
0x28: {  	_ =	task.clear_ibuf [dreg:s6], $0x4FFFF;
	_ =	strace $0x90000046  }
0x29: {  	s29 =	simm.s32 $0x9;
	_ =	strace $0x80000048  }
0x2a: {  	_ =	swait.ge [sflag:s29], $0x1  }
0x2b: {  	[sflag:s29] =	ssyncadd.s32 $0xFFFFFFFF  }
0x2c: {  	_ =	strace $0x90000048  }
0x2d: {  	_ =	sfence  }
0x2e: {  	s30 =	sld [smem:$0x0];
	_ =	sdelay $0x2  }
0x2f: {  	s31 =	sshll.u32 s3, $0xD;
	s3 =	sshrl.u32 s3, $0x2  }
0x30: {  	s2 =	sand.u32 $0x4000, s31;
	s1 =	sadd.s32 s3, s30  }
0x31: {  	s0 =	sor.u32 s2, s0;
	s1 =	sshll.u32 s1, $0x11  }
0x32: {  	s0 =	sor.u32 s1, s0  }
0x33: {  	s0 =	sadd.s32 $0x8F2B, s0  }
0x34: {  	[sflag:s0] =	ssyncadd.remote.s32 $0x1  }
0x35: {  	_ =	sfence.sel $0xFFFF  }
0x36: {  	[dreg:$0x0] =	wrdreg $0xFFFFFFFF;
	(pc) =	sbr.abs _section_cstart, $3  }
0x37: {  	[dreg:$0x1] =	wrdreg $0xFFFFFFFF  }
0x38: {  	_ =	task.clear_ibuf [dreg:s6], $0x2FFFF;
	_ =	strace $0x9FFFFFFF  }
0x39: {  	(tm) =	ssettm $0x7FFFFFFF  }
tec
execute0_lowered:
.L_overlay_start_1:
0x0: {  	(tag) =	ssettag $0x1  }
0x1: {  	s3 =	rddreg [dreg:$0x0]  }
0x2: {  	s0 =	rddreg [dreg:$0x1]  }
0x3: {  	s1 =	srdreg.scid;
	_ =	strace $0x80000047;
	s7 =	simm.s32 $0x2  }
0x4: {  	s14 =	simm.s32 $0x0;
	p0 =	por $0x0, $0x0;
	s8 =	simm.s32 $0x4000  }
0x5: {  	s15 =	simm.s32 $0x0;
	s16 =	simm.s32 $0x0;
	s17 =	simm.s32 $0x0  }
0x6: {  	s10 =	simm.s32 $0x0;
	s12 =	simm.s32 $0x0;
	s9 =	simm.s32 $0x0  }
.Ltmp0:
0x7: {  	s4 =	sshll.u32 s1, $0x4;
	s2 =	sadd.s32 $0x1800, s3;
	(pc) =	sbr.rel .LBB1_1-.Ltmp0, $4  }
0x8: {  	s1 =	stileid.u32;
	s3 =	sadd.s32 $0x1201800, s3;
	s4 =	sand.u32 $0x10, s4  }
0x9: {  	s5 =	sand.u32 $0x3, s1;
	s6 =	sor.u32 s1, s4;
	s4 =	simm.s32 $0x1  }
0xa: {  	s13 =	smov.u32 s5;
	[sflag:s4] =	ssyncpa.u1 $0x0;
	s6 =	sshrl.u32 s6, $0x2  }
0xb: {  	[sflag:s7] =	ssyncpa.u1 $0x0;
	s7 =	simm.s32 $0x800;
	s11 =	smov.u32 s6  }
.LBB1_7:
0xc: {  	s18 =	sadd.s32 $0x8, s10  }
0xd: {  	s14 =	sadd.s32 $0x8, s11;
	s19 =	smov.u32 s11;
	p2 =	sgt.s32 s18, $0x2F  }
0xe: {  	s19 =	smov.u32 @p2 s14  }
0xf: {  	s14 =	simm.s32 $0x1;
	p3 =	sgt.s32 s19, $0x7  }
0x10: {  	s14 =	simm.s32 @!p3 $0x0  }
0x11: {  	s20 =	sadd.s32 s14, s12  }
0x12: {  	s21 =	smov.u32 s13;
	s14 =	sadd.s32 $0x4, s13;
	p4 =	sgt.s32 s20, $0x2F  }
0x13: {  	p1 =	slt.u32 s9, $0x2;
	s21 =	smov.u32 @p4 s14  }
0x14: {  	s9 =	sadd.s32 $0x1, s9;
	s18 =	simm.s32 @p2 $0x0;
	p2 =	sgt.s32 s21, $0x3  }
0x15: {  	s22 =	simm.s32 @!p1 $0x2;
	s21 =	smov.u32 @p2 s5;
	p2 =	sne.s32 s9, $0x122  }
.Ltmp1:
0x16: {  	s15 =	smov.u32 s11;
	_ =	swait.ge @!p1 [sflag:s22], $0x4000;
	(pc) =	sbr.rel @!p2 .LBB1_8-.Ltmp1, $4  }
0x17: {  	s16 =	smov.u32 s12;
	s17 =	smov.u32 s13;
	[sflag:s22] =	ssyncset.done @!p1 $0x0  }
0x18: {  	p0 =	por !p0, !p0;
	s19 =	smov.u32 @p3 s6;
	[sflag:s22] =	ssyncadd.s32 @!p1 $0xFFFFC000  }
0x19: {  	s11 =	smov.u32 s19;
	s20 =	simm.s32 @p4 $0x0;
	s14 =	smov.u32 s10  }
0x1a: {  	s10 =	smov.u32 s18;
	s12 =	smov.u32 s20;
	s13 =	smov.u32 s21  }
.LBB1_1:
0x1b: {  	p1 =	sgt.u32 s9, $0x11F  }
0x1c: {  	s18 =	smul.u32 @!p1 $0x480000, s13  }
0x1d: {  	s19 =	smul.u32 @!p1 $0x18000, s12  }
0x1e: {  	s20 =	smul.u32 @!p1 $0x3000, s11;
	s18 =	sadd.s32 @!p1 s2, s18  }
0x1f: {  	s21 =	sxor.u32 @!p1 $0xFFFFFFFF, s9;
	s18 =	sadd.s32 @!p1 s19, s18  }
0x20: {  	s19 =	sshll.u32 @!p1 s21, $0xE;
	s21 =	sshll.u32 @!p1 s10, $0x8;
	s18 =	sadd.s32 @!p1 s20, s18  }
0x21: {  	s19 =	sand.u32 @!p1 $0x4000, s19;
	s20 =	simm.s32 @!p1 $0x0;
	s18 =	sadd.s32 @!p1 s21, s18  }
0x22: {  	[tilespmem:s19], [sflag:$0x1] =	stream.linear.gather @!p1 [hbm4b:s18+s20], $0x4000, $0x38;
	[tilespmem:$0x10000] =	vst v63  }
0x23: {  	p1 =	seq.s32 s9, $0x0  }
0x24: {  	p2 =	seq.s32 @!p1 s9, $0x121  }
0x25: {  	p1 =	por p1, p2  }
.Ltmp2:
0x26: {  	_ = 	snop;
	(pc) =	sbr.rel @p1 .LBB1_7-.Ltmp2, $1  }
0x27: {  	_ =	sdelay $0x3  }
0x28: {  	s18 =	simm.s32 $0x1;
	_ =	swait.ge [sflag:s4], $0x4000;
	s21 =	sshll.u32 s9, $0xE  }
0x29: {  	s18 =	simm.s32 @!p0 $0x0;
	[sflag:s4] =	ssyncset.done $0x0;
	s31 =	sand.u32 $0x4000, s21  }
0x2a: {  	s21 =	simm.s32 $0x0;
	s18 =	sshll.u32 s18, $0xE;
	[sflag:s4] =	ssyncadd.s32 $0xFFFFC000  }
0x2b: {  	s19 =	sor.u32 $0x400, s18;
	s20 =	sor.u32 $0x8470, s18;
	s18 =	sor.u32 $0x8000, s31  }
.LBB1_3:
0x2c: {  	v1 =	vmov s19;
	_ =	sdelay $0x3  }
0x2d: {  	s22 =	simm.s32 $0x0  }
0x2e: {  	v2 =	vld.idx.msk [tilespmem:v1+s22+$0x70 ss:$0x1], $0xffff  }
0x2f: {  	v0 =	vmov s20;
	v3 =	vld.idx.msk [tilespmem:v1+s22+$0xFFFFFC00 ss:$0x1], $0xffff  }
0x30: {  	v4 =	vld.idx.msk [tilespmem:v1+s22+$0xFFFFFC10 ss:$0x1], $0xffff  }
0x31: {  	v5 =	vld.idx.msk [tilespmem:v1+s22+$0xFFFFFC20 ss:$0x1], $0xffff  }
0x32: {  	v6 =	vld.idx.msk [tilespmem:v1+s22+$0xFFFFFC30 ss:$0x1], $0xffff  }
0x33: {  	v7 =	vld.idx.msk [tilespmem:v1+s22+$0xFFFFFC40 ss:$0x1], $0xffff  }
0x34: {  	v8 =	vld.idx.msk [tilespmem:v1+s22+$0xFFFFFC50 ss:$0x1], $0xffff;
	[tilespmem:v0+s22+$0x0 ss:$0x1] =	vst.idx.msk $0xffff, v2  }
0x35: {  	v9 =	vld.idx.msk [tilespmem:v1+s22+$0xFFFFFC60 ss:$0x1], $0xffff;
	[tilespmem:v0+s22+$0xFFFFFB90 ss:$0x1] =	vst.idx.msk $0xffff, v3  }
0x36: {  	v10 =	vld.idx.msk [tilespmem:v1+s22+$0xFFFFFC70 ss:$0x1], $0xffff;
	[tilespmem:v0+s22+$0xFFFFFBA0 ss:$0x1] =	vst.idx.msk $0xffff, v4  }
0x37: {  	v11 =	vld.idx.msk [tilespmem:v1+s22+$0x0 ss:$0x1], $0xffff;
	[tilespmem:v0+s22+$0xFFFFFBB0 ss:$0x1] =	vst.idx.msk $0xffff, v5  }
0x38: {  	[tilespmem:v0+s22+$0xFFFFFBC0 ss:$0x1] =	vst.idx.msk $0xffff, v6;
	v2 =	vld.idx.msk [tilespmem:v1+s22+$0x10 ss:$0x1], $0xffff  }
0x39: {  	[tilespmem:v0+s22+$0xFFFFFBD0 ss:$0x1] =	vst.idx.msk $0xffff, v7;
	v3 =	vld.idx.msk [tilespmem:v1+s22+$0x20 ss:$0x1], $0xffff  }
0x3a: {  	[tilespmem:v0+s22+$0xFFFFFBE0 ss:$0x1] =	vst.idx.msk $0xffff, v8;
	v4 =	vld.idx.msk [tilespmem:v1+s22+$0x30 ss:$0x1], $0xffff  }
0x3b: {  	[tilespmem:v0+s22+$0xFFFFFBF0 ss:$0x1] =	vst.idx.msk $0xffff, v9;
	v5 =	vld.idx.msk [tilespmem:v1+s22+$0x40 ss:$0x1], $0xffff  }
0x3c: {  	[tilespmem:v0+s22+$0xFFFFFC00 ss:$0x1] =	vst.idx.msk $0xffff, v10;
	v6 =	vld.idx.msk [tilespmem:v1+s22+$0x50 ss:$0x1], $0xffff  }
0x3d: {  	s23 =	simm.s32 $0x80;
	s24 =	simm.s32 $0x400;
	[tilespmem:v0+s22+$0xFFFFFF90 ss:$0x1] =	vst.idx.msk $0xffff, v11;
	v7 =	vld.idx.msk [tilespmem:v1+s22+$0x60 ss:$0x1], $0xffff  }
.LBB1_4:
0x3e: {  	p1 =	sne.s32 s24, $0xE00;
	v8 =	vld.idx.msk [tilespmem:v1+s23+$0x70 ss:$0x1], $0xffff;
	[tilespmem:v0+s22+$0xFFFFFFA0 ss:$0x1] =	vst.idx.msk $0xffff, v2  }
0x3f: {  	v2 =	vld.idx.msk [tilespmem:v1+s23+$0xFFFFFC00 ss:$0x1], $0xffff;
	[tilespmem:v0+s22+$0xFFFFFFB0 ss:$0x1] =	vst.idx.msk $0xffff, v3  }
0x40: {  	v3 =	vld.idx.msk [tilespmem:v1+s23+$0xFFFFFC10 ss:$0x1], $0xffff;
	[tilespmem:v0+s22+$0xFFFFFFC0 ss:$0x1] =	vst.idx.msk $0xffff, v4  }
0x41: {  	v4 =	vld.idx.msk [tilespmem:v1+s23+$0xFFFFFC20 ss:$0x1], $0xffff;
	[tilespmem:v0+s22+$0xFFFFFFD0 ss:$0x1] =	vst.idx.msk $0xffff, v5  }
0x42: {  	v5 =	vld.idx.msk [tilespmem:v1+s23+$0xFFFFFC30 ss:$0x1], $0xffff;
	[tilespmem:v0+s22+$0xFFFFFFE0 ss:$0x1] =	vst.idx.msk $0xffff, v6  }
0x43: {  	v6 =	vld.idx.msk [tilespmem:v1+s23+$0xFFFFFC40 ss:$0x1], $0xffff;
	[tilespmem:v0+s22+$0xFFFFFFF0 ss:$0x1] =	vst.idx.msk $0xffff, v7;
	s22 =	smov.u32 s23  }
0x44: {  	v7 =	vld.idx.msk [tilespmem:v1+s22+$0xFFFFFC50 ss:$0x1], $0xffff;
	[tilespmem:v0+s22+$0x0 ss:$0x1] =	vst.idx.msk $0xffff, v8  }
0x45: {  	[tilespmem:v0+s22+$0xFFFFFB90 ss:$0x1] =	vst.idx.msk $0xffff, v2;
	v8 =	vld.idx.msk [tilespmem:v1+s22+$0xFFFFFC60 ss:$0x1], $0xffff  }
0x46: {  	[tilespmem:v0+s22+$0xFFFFFBA0 ss:$0x1] =	vst.idx.msk $0xffff, v3;
	v9 =	vld.idx.msk [tilespmem:v1+s22+$0xFFFFFC70 ss:$0x1], $0xffff  }
0x47: {  	[tilespmem:v0+s22+$0xFFFFFBB0 ss:$0x1] =	vst.idx.msk $0xffff, v4;
	v10 =	vld.idx.msk [tilespmem:v1+s22+$0x0 ss:$0x1], $0xffff  }
0x48: {  	[tilespmem:v0+s22+$0xFFFFFBC0 ss:$0x1] =	vst.idx.msk $0xffff, v5;
	v2 =	vld.idx.msk [tilespmem:v1+s22+$0x10 ss:$0x1], $0xffff  }
.Ltmp3:
0x49: {  	[tilespmem:v0+s22+$0xFFFFFBD0 ss:$0x1] =	vst.idx.msk $0xffff, v6;
	v3 =	vld.idx.msk [tilespmem:v1+s22+$0x20 ss:$0x1], $0xffff;
	(pc) =	sbr.rel @p1 .LBB1_4-.Ltmp3, $4  }
0x4a: {  	[tilespmem:v0+s22+$0xFFFFFBE0 ss:$0x1] =	vst.idx.msk $0xffff, v7;
	v4 =	vld.idx.msk [tilespmem:v1+s22+$0x30 ss:$0x1], $0xffff  }
0x4b: {  	[tilespmem:v0+s22+$0xFFFFFBF0 ss:$0x1] =	vst.idx.msk $0xffff, v8;
	v5 =	vld.idx.msk [tilespmem:v1+s22+$0x40 ss:$0x1], $0xffff  }
0x4c: {  	[tilespmem:v0+s22+$0xFFFFFC00 ss:$0x1] =	vst.idx.msk $0xffff, v9;
	v6 =	vld.idx.msk [tilespmem:v1+s22+$0x50 ss:$0x1], $0xffff  }
0x4d: {  	s23 =	sshra.s32 s24, $0x2;
	s24 =	sadd.s32 $0x200, s24;
	[tilespmem:v0+s22+$0xFFFFFF90 ss:$0x1] =	vst.idx.msk $0xffff, v10;
	v7 =	vld.idx.msk [tilespmem:v1+s22+$0x60 ss:$0x1], $0xffff  }
0x4e: {  	_ =	sdelay $0x3  }
0x4f: {  	[tilespmem:v0+s22+$0xFFFFFFA0 ss:$0x1] =	vst.idx.msk $0xffff, v2  }
0x50: {  	v48 =	vld.idx.msk [tilespmem:v1+s23+$0x70 ss:$0x1], $0xffff;
	[tilespmem:v0+s22+$0xFFFFFFB0 ss:$0x1] =	vst.idx.msk $0xffff, v3  }
0x51: {  	v49 =	vld.idx.msk [tilespmem:v1+s23+$0xFFFFFC00 ss:$0x1], $0xffff;
	[tilespmem:v0+s22+$0xFFFFFFC0 ss:$0x1] =	vst.idx.msk $0xffff, v4  }
0x52: {  	v50 =	vld.idx.msk [tilespmem:v1+s23+$0xFFFFFC10 ss:$0x1], $0xffff;
	[tilespmem:v0+s22+$0xFFFFFFD0 ss:$0x1] =	vst.idx.msk $0xffff, v5  }
0x53: {  	v51 =	vld.idx.msk [tilespmem:v1+s23+$0xFFFFFC20 ss:$0x1], $0xffff;
	[tilespmem:v0+s22+$0xFFFFFFE0 ss:$0x1] =	vst.idx.msk $0xffff, v6  }
0x54: {  	v52 =	vld.idx.msk [tilespmem:v1+s23+$0xFFFFFC30 ss:$0x1], $0xffff;
	[tilespmem:v0+s22+$0xFFFFFFF0 ss:$0x1] =	vst.idx.msk $0xffff, v7  }
0x55: {  	v53 =	vld.idx.msk [tilespmem:v1+s23+$0xFFFFFC40 ss:$0x1], $0xffff;
	[tilespmem:v0+s23+$0x0 ss:$0x1] =	vst.idx.msk $0xffff, v48  }
0x56: {  	v54 =	vld.idx.msk [tilespmem:v1+s23+$0xFFFFFC50 ss:$0x1], $0xffff;
	[tilespmem:v0+s23+$0xFFFFFB90 ss:$0x1] =	vst.idx.msk $0xffff, v49  }
0x57: {  	v55 =	vld.idx.msk [tilespmem:v1+s23+$0xFFFFFC60 ss:$0x1], $0xffff;
	[tilespmem:v0+s23+$0xFFFFFBA0 ss:$0x1] =	vst.idx.msk $0xffff, v50  }
0x58: {  	v56 =	vld.idx.msk [tilespmem:v1+s23+$0xFFFFFC70 ss:$0x1], $0xffff;
	[tilespmem:v0+s23+$0xFFFFFBB0 ss:$0x1] =	vst.idx.msk $0xffff, v51  }
0x59: {  	v57 =	vld.idx.msk [tilespmem:v1+s23+$0x0 ss:$0x1], $0xffff;
	[tilespmem:v0+s23+$0xFFFFFBC0 ss:$0x1] =	vst.idx.msk $0xffff, v52  }
0x5a: {  	v58 =	vld.idx.msk [tilespmem:v1+s23+$0x10 ss:$0x1], $0xffff;
	[tilespmem:v0+s23+$0xFFFFFBD0 ss:$0x1] =	vst.idx.msk $0xffff, v53  }
0x5b: {  	v59 =	vld.idx.msk [tilespmem:v1+s23+$0x20 ss:$0x1], $0xffff;
	[tilespmem:v0+s23+$0xFFFFFBE0 ss:$0x1] =	vst.idx.msk $0xffff, v54  }
0x5c: {  	v60 =	vld.idx.msk [tilespmem:v1+s23+$0x30 ss:$0x1], $0xffff;
	[tilespmem:v0+s23+$0xFFFFFBF0 ss:$0x1] =	vst.idx.msk $0xffff, v55  }
0x5d: {  	v61 =	vld.idx.msk [tilespmem:v1+s23+$0x40 ss:$0x1], $0xffff;
	[tilespmem:v0+s23+$0xFFFFFC00 ss:$0x1] =	vst.idx.msk $0xffff, v56  }
0x5e: {  	v62 =	vld.idx.msk [tilespmem:v1+s23+$0x50 ss:$0x1], $0xffff;
	s21 =	sadd.s32 $0x1, s21;
	[tilespmem:v0+s23+$0xFFFFFF90 ss:$0x1] =	vst.idx.msk $0xffff, v57  }
0x5f: {  	v63 =	vld.idx.msk [tilespmem:v1+s23+$0x60 ss:$0x1], $0xffff;
	p1 =	sne.s32 s21, $0x8;
	[tilespmem:v0+s23+$0xFFFFFFA0 ss:$0x1] =	vst.idx.msk $0xffff, v58  }
.Ltmp4:
0x60: {  	[tilespmem:v0+s23+$0xFFFFFFB0 ss:$0x1] =	vst.idx.msk $0xffff, v59;
	(pc) =	sbr.rel @p1 .LBB1_3-.Ltmp4, $4  }
0x61: {  	[tilespmem:v0+s23+$0xFFFFFFC0 ss:$0x1] =	vst.idx.msk $0xffff, v60  }
0x62: {  	[tilespmem:v0+s23+$0xFFFFFFD0 ss:$0x1] =	vst.idx.msk $0xffff, v61  }
0x63: {  	[tilespmem:v0+s23+$0xFFFFFFE0 ss:$0x1] =	vst.idx.msk $0xffff, v62  }
0x64: {  	s19 =	sadd.s32 $0x800, s19;
	s20 =	sadd.s32 $0x800, s20;
	[tilespmem:v0+s23+$0xFFFFFFF0 ss:$0x1] =	vst.idx.msk $0xffff, v63  }
0x65: {  	s17 =	smul.u32 $0x480000, s17  }
0x66: {  	s16 =	smul.u32 $0x18000, s16  }
.Ltmp5:
0x67: {  	s17 =	sadd.s32 s3, s17;
	(pc) =	sbr.rel .LBB1_7-.Ltmp5, $4  }
0x68: {  	s15 =	sshll.u32 s15, $0x8;
	s16 =	sadd.s32 s16, s17  }
0x69: {  	s14 =	sshll.u32 s14, $0xB;
	s15 =	sadd.s32 s15, s16  }
0x6a: {  	s14 =	sadd.s32 s14, s15  }
0x6b: {  	[hbm4b:s14+s7] =	stream.strided.scatter [tilespmem:s18], [sflag:$0x2], $0x4000, s8, s7, $0x38;
	[tilespmem:$0x10000] =	vst v63  }
.LBB1_8:
0x6c: {  	_ =	sfence.sel $0x180000  }
0x6d: {  	s2 =	simm.s32 $0x1;
	[bflag:$0x0] =	sbarrier.arrive $0xFFFF  }
0x6e: {  	s31 =	simm.s32 $0x2;
	[sflag:s2] =	ssyncpa.u1 $0x1  }
0x6f: {  	[sflag:s31] =	ssyncpa.u1 $0x1  }
0x70: {  	p0 =	sne.s32 s1, $0x0;
	_ =	strace $0x90000047  }
0x71: {  	s0 =	sadd.s32 @!p0 $0x100000, s0;
	[bflag:$0x2] =	sbarrier.arrive $0xFFFF  }
0x72: {  	[sflag:s0] =	ssyncadd.tile.s32 @!p0 $0x1;
	_ =	shalt  }
.Lfunc_end1:
_tile_overlayer_lowered:
.L_overlay_start_2:
0x73: {  	(tag) =	ssettag $0x2  }
0x74: {  	s0 =	rddreg [dreg:$0x0];
	s2 =	stileid.u32  }
0x75: {  	s1 =	rddreg [dreg:$0x1];
	p0 =	sne.s32 s2, $0x0  }
0x76: {  	s3 =	rddreg [dreg:$0x2];
	[bflag:$0x3] =	sbarrier.arrive $0xFFFF;
	s2 =	simm.s32 @!p0 $0x1C01  }
0x77: {  	[timem:s3], [sflag:s2] =	dma.local @!p0 [hbm:s0], s1  }
0x78: {  	s0 =	simm.s32 @!p0 $0x1  }
0x79: {  	_ =	swait.ge @!p0 [sflag:s0], s1  }
0x7a: {  	s1 =	ssub.s32 @!p0 $0x0, s1;
	[sflag:s0] =	ssyncset.done @!p0 $0x0  }
0x7b: {  	[sflag:s0] =	ssyncadd.s32 @!p0 s1  }
0x7c: {  	[bflag:$0x3] =	sbarrier.arrive $0xFFFF  }
0x7d: {  	_ =	shalt  }

// kernel: sparse-core-data-format-call.cloned.1.call-start
scs
called_computation_lowered:
.L_overlay_start_0:
0x0: {  	s2 =	sld [smem:$0x3FD9]  }
0x1: {  	s3 =	sld [smem:$0x3FFE];
	_ =	sdelay $0x1  }
0x2: {  	s1 =	srdreg.scid  }
0x3: {  	s0 =	sand.u32 $0x1, s1  }
0x4: {  	s18 =	sshll.u32 s0, $0xA;
	s2 =	sadd.s32 s3, s2  }
0x5: {  	s2 =	sadd.s32 s2, s18  }
0x6: {  	[smem:$0x3FC1] =	sst s2  }
0x7: {  	_ = 	snop  }
0x8: {  	s2 =	sld [smem:$0x3FD0];
	(tm) =	ssettm $0x1  }
0x9: {  	s19 =	sld [smem:$0x3FFB];
	_ =	sdelay $0x3  }
0xa: {  	_ =	strace s19  }
0xb: {  	s3 =	sld [smem:$0x3FFC];
	_ =	sdelay $0x3  }
0xc: {  	_ =	strace s3  }
0xd: {  	s3 =	sld [smem:$0x3FFD];
	_ =	sdelay $0x3  }
0xe: {  	_ =	strace s3  }
0xf: {  	_ =	strace $0x8FFFFFFF  }
0x10: {  	s20 =	sld [smem:$0x3FDB];
	_ =	sdelay $0x1  }
0x11: {  	s4 =	simm.s32 $_scs_section_size  }
0x12: {  	s5 =	simm.s32 $_size__tile_overlayer_lowered;
	s6 =	simm.s32 $_tile_overlayer_lowered  }
0x13: {  	s23 =	simm.s32 $0x1BFF;
	s22 =	sshll.u32 s6, $0x1;
	s3 =	sadd.s32 s4, s20  }
0x14: {  	s7 =	simm.s32 $0x0;
	s21 =	sshll.u32 s5, $0x1;
	s5 =	sadd.s32 s22, s3  }
0x15: {  	[timem:s7], [sflag:s23] =	dma.local [hbm:s5], s21  }
0x16: {  	_ =	swait.ge [sflag:s23], s21  }
0x17: {  	s4 =	ssub.s32 $0x0, s21;
	[sflag:s23] =	ssyncset.done $0x0  }
0x18: {  	[sflag:s23] =	ssyncadd.s32 s4;
	_ =	sdelay $0x1  }
0x19: {  	s24 =	simm.s32 $0x1B8B  }
0x1a: {  	_ =	swait.ge [sflag:s24], $0x1  }
0x1b: {  	[sflag:s24] =	ssyncset.done $0x0  }
0x1c: {  	s26 =	simm.s32 $0x1B8E;
	s25 =	sld [smem:$0x3FFE];
	[sflag:s24] =	ssyncadd.s32 $0xFFFFFFFF  }
0x1d: {  	s27 =	simm.s32 $execute0_lowered;
	[smem:$0x3FD2] =	sst s26  }
0x1e: {  	s5 =	sshll.u32 s27, $0x1;
	_ =	strace $0x8000004C;
	[dreg:$0x1] =	wrdreg $0xFFFFFFFF  }
0x1f: {  	s28 =	simm.s32 $_size_execute0_lowered;
	s3 =	sadd.s32 s3, s5;
	[dreg:$0x0] =	wrdreg $0x0  }
0x20: {  	s5 =	sshll.u32 s28, $0x1;
	[dreg:$0x2] =	wrdreg s3  }
0x21: {  	[dreg:$0x3] =	wrdreg s5  }
0x22: {  	[dreg:$0x4] =	wrdreg $0xC0  }
0x23: {  	_ =	task [dreg:s7], $0x5FFFF  }
0x24: {  	[dreg:$0x1] =	wrdreg $0xFFFFFFFF  }
0x25: {  	[dreg:$0x0] =	wrdreg $0x60  }
0x26: {  	[dreg:$0x2] =	wrdreg s25  }
0x27: {  	[dreg:$0x3] =	wrdreg s2  }
0x28: {  	[dreg:$0x4] =	wrdreg $0x9  }
0x29: {  	_ =	task.clear_ibuf [dreg:s7], $0x5FFFF;
	_ =	strace $0x9000004C  }
0x2a: {  	s29 =	simm.s32 $0x9;
	_ =	strace $0x8000004E  }
0x2b: {  	_ =	swait.ge [sflag:s29], $0x1  }
0x2c: {  	[sflag:s29] =	ssyncadd.s32 $0xFFFFFFFF  }
0x2d: {  	_ =	strace $0x9000004E  }
0x2e: {  	_ =	sfence  }
0x2f: {  	s30 =	sld [smem:$0x0];
	_ =	sdelay $0x2  }
0x30: {  	s31 =	sshll.u32 s1, $0xD;
	s1 =	sshrl.u32 s1, $0x2  }
0x31: {  	s3 =	sand.u32 $0x4000, s31;
	s1 =	sadd.s32 s1, s30  }
0x32: {  	s0 =	sor.u32 s3, s0;
	s1 =	sshll.u32 s1, $0x11  }
0x33: {  	s0 =	sor.u32 s1, s0  }
0x34: {  	s0 =	sadd.s32 $0x8F2B, s0  }
0x35: {  	[sflag:s0] =	ssyncadd.remote.s32 $0x1  }
0x36: {  	_ =	sfence.sel $0xFFFF  }
0x37: {  	[dreg:$0x0] =	wrdreg $0xFFFFFFFF;
	(pc) =	sbr.abs _section_cstart, $3  }
0x38: {  	[dreg:$0x1] =	wrdreg $0xFFFFFFFF  }
0x39: {  	_ =	task.clear_ibuf [dreg:s7], $0x2FFFF;
	_ =	strace $0x9FFFFFFF  }
0x3a: {  	(tm) =	ssettm $0x7FFFFFFF  }
0x3b: {  	_ =	shalt  }
tec
execute0_lowered:
.L_overlay_start_1:
0x0: {  	(tag) =	ssettag $0x1  }
0x1: {  	s3 =	rddreg [dreg:$0x0]  }
0x2: {  	s2 =	rddreg [dreg:$0x1];
	s1 =	srdreg.scid;
	_ =	strace $0x8000004D  }
0x3: {  	s7 =	simm.s32 $0x2;
	s19 =	simm.s32 $0x0;
	p0 =	por $0x0, $0x0  }
0x4: {  	s17 =	simm.s32 $0x0;
	s18 =	simm.s32 $0x0;
	s20 =	simm.s32 $0x0  }
0x5: {  	s8 =	simm.s32 $0x0;
	s9 =	simm.s32 $0x0;
	s11 =	simm.s32 $0x0  }
0x6: {  	s12 =	simm.s32 $0x0;
	s13 =	simm.s32 $0x0;
	s14 =	simm.s32 $0x0  }
.Ltmp0:
0x7: {  	s10 =	simm.s32 $0x0;
	s4 =	sshll.u32 s1, $0x4;
	(pc) =	sbr.rel .LBB1_1-.Ltmp0, $4  }
0x8: {  	s1 =	stileid.u32;
	s3 =	sadd.s32 $0x1201800, s3;
	s4 =	sand.u32 $0x10, s4  }
0x9: {  	s5 =	sand.u32 $0x3, s1;
	s6 =	sor.u32 s1, s4;
	s4 =	simm.s32 $0x1  }
0xa: {  	s16 =	smov.u32 s5;
	[sflag:s4] =	ssyncpa.u1 $0x0;
	s6 =	sshrl.u32 s6, $0x2  }
0xb: {  	[sflag:s7] =	ssyncpa.u1 $0x0;
	s7 =	simm.s32 $0x24000;
	s15 =	smov.u32 s6  }
.LBB1_5:
0xc: {  	p1 =	slt.u32 s10, $0x2;
	s0 =	smov.u32 s20  }
0xd: {  	s23 =	smov.u32 s15;
	s24 =	smov.u32 s16;
	s10 =	sadd.s32 $0x1, s10  }
0xe: {  	p2 =	sgt.s32 @!p1 s20, $0x3;
	s21 =	sshra.s32 @!p1 s20, $0x1F;
	s22 =	sshra.s32 @!p1 s19, $0x1F  }
0xf: {  	p2 =	por !p2, p1;
	s20 =	sand.u32 @!p1 s21, s20;
	s21 =	smov.u32 s19  }
0x10: {  	s0 =	simm.s32 @p2 $0x3;
	p2 =	sgt.s32 @!p1 s19, $0x40;
	s19 =	sand.u32 @!p1 s22, s19  }
0x11: {  	s22 =	smov.u32 s14;
	s0 =	ssub.s32 @!p1 s0, s20;
	p2 =	por !p2, p1  }
0x12: {  	s20 =	sadd.s32 @!p1 $0xFFFFFFFD, s0;
	s21 =	simm.s32 @p2 $0x40;
	s0 =	ssub.s32 @!p1 $0x4, s0  }
0x13: {  	p3 =	sgt.s32 @!p1 s20, $0x0;
	s19 =	ssub.s32 @!p1 s21, s19;
	s21 =	sshra.s32 @!p1 s18, $0x1F  }
0x14: {  	p2 =	por !p3, p1;
	s20 =	sadd.s32 @!p1 $0xFFFFFFC0, s19;
	p3 =	sgt.s32 @!p1 s18, $0x17F  }
0x15: {  	s19 =	ssub.s32 @!p1 $0xC0, s19;
	s0 =	simm.s32 @!p2 $0x0;
	p2 =	sgt.s32 @!p1 s20, $0x7F  }
0x16: {  	p3 =	por !p3, p1;
	s20 =	smov.u32 s18;
	s18 =	sand.u32 @!p1 s21, s18  }
0x17: {  	s21 =	sshra.s32 @!p1 s17, $0x1F;
	s20 =	simm.s32 @p3 $0x17F;
	p3 =	sgt.s32 @!p1 s17, $0x100  }
0x18: {  	s18 =	ssub.s32 @!p1 s20, s18;
	p3 =	por !p3, p1;
	s20 =	smov.u32 s17  }
0x19: {  	s17 =	sand.u32 @!p1 s21, s17;
	s21 =	sadd.s32 @!p1 $0xFFFFFE81, s18;
	s20 =	simm.s32 @p3 $0x100  }
0x1a: {  	p2 =	por !p2, p1;
	p3 =	sgt.s32 @!p1 s21, $0x0;
	s17 =	ssub.s32 @!p1 s20, s17  }
0x1b: {  	s18 =	ssub.s32 @!p1 $0x180, s18;
	p3 =	por !p3, p1;
	s20 =	sadd.s32 @!p1 $0xFFFFFF00, s17  }
0x1c: {  	s21 =	sadd.s32 $0x80, s13;
	s18 =	simm.s32 @!p3 $0x0;
	p3 =	sgt.s32 @!p1 s20, $0x7F  }
0x1d: {  	s17 =	ssub.s32 @!p1 $0x180, s17;
	p3 =	por !p3, p1;
	s0 =	smul.u32 @!p1 s0, s18  }
0x1e: {  	s18 =	sadd.s32 $0x80, s14;
	s17 =	simm.s32 @!p3 $0x0;
	p3 =	sgt.s32 s21, $0xBF  }
0x1f: {  	p0 =	por !p0, !p0;
	s19 =	simm.s32 @!p2 $0x0;
	s22 =	smov.u32 @p3 s18  }
0x20: {  	s0 =	smul.u32 @!p1 s17, s0;
	s17 =	sadd.s32 $0x8, s15;
	p2 =	sgt.s32 s22, $0x17F  }
0x21: {  	s25 =	simm.s32 @!p1 $0x2;
	s20 =	smov.u32 s12;
	s23 =	smov.u32 @p2 s17  }
0x22: {  	s21 =	simm.s32 @p3 $0x0;
	s17 =	sadd.s32 $0x4, s16;
	p3 =	sgt.s32 s23, $0x17F  }
0x23: {  	s12 =	smov.u32 s16;
	s18 =	smov.u32 s11;
	s24 =	smov.u32 @p3 s17  }
0x24: {  	s11 =	smov.u32 s15;
	s22 =	simm.s32 @p2 $0x0;
	p2 =	sgt.s32 s24, $0x3  }
0x25: {  	s0 =	smul.u32 @!p1 s19, s0;
	s24 =	smov.u32 @p2 s5;
	p2 =	sne.s32 s10, $0x122  }
.Ltmp1:
0x26: {  	s19 =	smov.u32 s8;
	s8 =	smov.u32 s13;
	(pc) =	sbr.rel @!p2 .LBB1_6-.Ltmp1, $4  }
0x27: {  	s13 =	smov.u32 s21;
	s0 =	sand.u32 @!p1 $0x3FFFFFFF, s0;
	s23 =	smov.u32 @p3 s6  }
0x28: {  	s17 =	smov.u32 s9;
	s9 =	smov.u32 s14;
	_ =	swait.ge @!p1 [sflag:s25], s0  }
0x29: {  	s14 =	smov.u32 s22;
	s0 =	ssub.s32 @!p1 $0x0, s0;
	[sflag:s25] =	ssyncset.done @!p1 $0x0  }
0x2a: {  	s15 =	smov.u32 s23;
	[sflag:s25] =	ssyncadd.s32 @!p1 s0;
	s16 =	smov.u32 s24  }
.LBB1_1:
0x2b: {  	p1 =	sgt.u32 s10, $0x11F  }
0x2c: {  	s21 =	sshll.u32 @!p1 s14, $0x8;
	s22 =	sshll.u32 @!p1 s13, $0x3  }
0x2d: {  	s23 =	sshll.u32 @!p1 s14, $0x7;
	s21 =	sand.u32 @!p1 $0xFFFFF800, s21;
	s22 =	sand.u32 @!p1 $0xFFFFFC00, s22  }
0x2e: {  	s21 =	sadd.s32 @!p1 s21, s22;
	s22 =	sand.u32 @!p1 $0x300, s23  }
0x2f: {  	s21 =	sor.u32 @!p1 s22, s21  }
0x30: {  	s21 =	sshrl.u32 @!p1 s21, $0x8  }
0x31: {  	s22 =	smulhi.u32 @!p1 $0xAAAAAB, s21  }
0x32: {  	s24 =	sxor.u32 @!p1 $0xFFFFFFFF, s10;
	s26 =	smul.u32 @!p1 $0x480000, s16  }
0x33: {  	s25 =	sand.u32 @!p1 $0x78, s13;
	s23 =	sand.u32 @!p1 $0x80, s23;
	s22 =	smul.u32 @!p1 $0x180, s22  }
0x34: {  	s24 =	sshll.u32 @!p1 s24, $0xE;
	s23 =	sor.u32 @!p1 s25, s23;
	s25 =	smul.u32 @!p1 $0x3000, s15  }
0x35: {  	s21 =	ssub.s32 @!p1 s21, s22;
	s22 =	sand.u32 @!p1 $0x4000, s24;
	s24 =	sadd.s32 @!p1 s3, s26  }
0x36: {  	s23 =	sshrl.u32 @!p1 s23, $0x3;
	s24 =	sadd.s32 @!p1 s25, s24;
	s25 =	sand.u32 @!p1 $0x7, s13  }
0x37: {  	s21 =	sshll.u32 @!p1 s21, $0x5;
	s23 =	sadd.s32 @!p1 s23, s24;
	s24 =	sshll.u32 @!p1 s25, $0x12  }
0x38: {  	s21 =	sadd.s32 @!p1 s21, s23;
	s23 =	sor.u32 @!p1 $0x400, s24;
	s24 =	simm.s32 @!p1 $0x800  }
0x39: {  	[tilespmem:s22], [sflag:$0x1] =	stream.strided.gather @!p1 [hbm4b:s21+s23], $0x4000, s24, s23, $0x38;
	[tilespmem:$0x10100] =	vst v63  }
0x3a: {  	p1 =	seq.s32 s10, $0x0  }
0x3b: {  	p2 =	seq.s32 @!p1 s10, $0x121  }
0x3c: {  	p1 =	por p1, p2  }
.Ltmp2:
0x3d: {  	_ = 	snop;
	(pc) =	sbr.rel @p1 .LBB1_5-.Ltmp2, $1  }
0x3e: {  	_ =	sdelay $0x3  }
0x3f: {  	s21 =	simm.s32 $0x1  }
0x40: {  	_ =	swait.ge [sflag:s4], $0x4000;
	s21 =	simm.s32 @!p0 $0x0  }
0x41: {  	[sflag:s4] =	ssyncset.done $0x0;
	s22 =	sshll.u32 s21, $0xE  }
0x42: {  	[sflag:s4] =	ssyncadd.s32 $0xFFFFC000;
	s22 =	sor.u32 $0x40, s22  }
0x43: {  	s21 =	smul.u32 $0x10200, s21;
	v0 =	vld [tilespmem:s22+$0x30]  }
0x44: {  	v1 =	vld [tilespmem:s22+$0xFFFFFFD0]  }
0x45: {  	s21 =	sshrl.u32 s21, $0x2;
	v5 =	vld [tilespmem:s22+$0xFFFFFFE0]  }
0x46: {  	v6 =	vld [tilespmem:s22+$0xFFFFFFF0];
	s24 =	sor.u32 $0x8000, s21  }
0x47: {  	s31 =	sand.u32 $0x1, s10;
	v4 =	vld [tilespmem:s22+$0x0];
	s23 =	sadd.s32 $0x0, s24  }
0x48: {  	v3 =	vld [tilespmem:s22+$0x10];
	s21 =	smul.u32 $0x10200, s31;
	[tilespmem:s23+$0x3870 ss:$0x81] =	vst.msk $0xffff, v0  }
0x49: {  	v2 =	vld [tilespmem:s22+$0x20];
	[tilespmem:s23+$0x810 ss:$0x81] =	vst.msk $0xffff, v1  }
0x4a: {  	s21 =	sshrl.u32 s21, $0x2;
	v1 =	vld [tilespmem:s22+$0xFFFFFFC0];
	[tilespmem:s23+$0x1020 ss:$0x81] =	vst.msk $0xffff, v5;
	s22 =	sadd.s32 $0x80, s22  }
0x4b: {  	s25 =	simm.s32 $0x4;
	s26 =	simm.s32 $0x8;
	s21 =	sor.u32 $0x8000, s21;
	[tilespmem:s23+$0x1830 ss:$0x81] =	vst.msk $0xffff, v6;
	v0 =	vld [tilespmem:s22+$0x30]  }
.LBB1_3:
0x4c: {  	p1 =	sne.s32 s26, $0x1FC;
	v5 =	vld [tilespmem:s22+$0xFFFFFFD0];
	[tilespmem:s23+$0x2040 ss:$0x81] =	vst.msk $0xffff, v4  }
0x4d: {  	v6 =	vld [tilespmem:s22+$0xFFFFFFE0];
	[tilespmem:s23+$0x2850 ss:$0x81] =	vst.msk $0xffff, v3  }
0x4e: {  	s27 =	sshra.s32 s25, $0x2;
	s25 =	smov.u32 s26;
	v7 =	vld [tilespmem:s22+$0xFFFFFFF0];
	[tilespmem:s23+$0x3060 ss:$0x81] =	vst.msk $0xffff, v2  }
.Ltmp3:
0x4f: {  	v4 =	vld [tilespmem:s22+$0x0];
	[tilespmem:s23+$0x0 ss:$0x81] =	vst.msk $0xffff, v1;
	s23 =	sadd.s32 s27, s24;
	(pc) =	sbr.rel @p1 .LBB1_3-.Ltmp3, $4  }
0x50: {  	v3 =	vld [tilespmem:s22+$0x10];
	[tilespmem:s23+$0x3870 ss:$0x81] =	vst.msk $0xffff, v0  }
0x51: {  	[tilespmem:s23+$0x810 ss:$0x81] =	vst.msk $0xffff, v5;
	v2 =	vld [tilespmem:s22+$0x20]  }
0x52: {  	v1 =	vld [tilespmem:s22+$0xFFFFFFC0];
	[tilespmem:s23+$0x1020 ss:$0x81] =	vst.msk $0xffff, v6;
	s22 =	sadd.s32 $0x80, s22  }
0x53: {  	s26 =	sadd.s32 $0x4, s26;
	v0 =	vld [tilespmem:s22+$0x30];
	[tilespmem:s23+$0x1830 ss:$0x81] =	vst.msk $0xffff, v7  }
0x54: {  	s26 =	sshrl.u32 s11, $0x3  }
0x55: {  	s27 =	sshll.u32 s9, $0x3;
	s28 =	sshll.u32 s11, $0x7;
	s25 =	sshra.s32 s25, $0x2  }
0x56: {  	s31 =	sand.u32 $0x7F, s9;
	p1 =	sgt.s32 s12, $0x3;
	s29 =	sshra.s32 s12, $0x1F  }
0x57: {  	s26 =	smul.u32 $0xC00, s26;
	s30 =	sand.u32 $0x380, s28;
	s28 =	smov.u32 s12  }
0x58: {  	s27 =	sand.u32 $0xFFFFFC00, s27;
	s29 =	sand.u32 s29, s12;
	s28 =	simm.s32 @!p1 $0x3  }
0x59: {  	s24 =	sadd.s32 s25, s24;
	s26 =	sadd.s32 s26, s27;
	s0 =	ssub.s32 s28, s29  }
0x5a: {  	s26 =	sor.u32 s30, s26;
	s29 =	sadd.s32 $0xFFFFFFFD, s0;
	s25 =	ssub.s32 $0x4, s0  }
0x5b: {  	s0 =	sshra.s32 s11, $0x1F;
	s27 =	sor.u32 s31, s26;
	s26 =	smulhi.u32 $0xAAAAAAAB, s26  }
0x5c: {  	p1 =	sgt.s32 s29, $0x0;
	s29 =	smov.u32 s11;
	s30 =	smulhi.u32 $0xAAAAAAAB, s27  }
0x5d: {  	s25 =	simm.s32 @p1 $0x0;
	p1 =	sgt.s32 s11, $0x17F;
	s26 =	sshrl.u32 s26, $0x8  }
0x5e: {  	s29 =	simm.s32 @!p1 $0x17F;
	p1 =	sgt.s32 s9, $0x100;
	s31 =	sshrl.u32 s30, $0x8  }
0x5f: {  	s30 =	sand.u32 s0, s11;
	s0 =	sshra.s32 s9, $0x1F;
	s28 =	smul.u32 $0x180, s31  }
0x60: {  	s31 =	smov.u32 s9;
	s29 =	ssub.s32 s29, s30;
	s30 =	smov.u32 s8  }
0x61: {  	s0 =	sand.u32 s0, s9;
	s31 =	simm.s32 @!p1 $0x100;
	p1 =	sgt.s32 s8, $0x40  }
0x62: {  	[tilespmem:s23+$0x2040 ss:$0x81] =	vst.msk $0xffff, v4;
	s30 =	simm.s32 @!p1 $0x40;
	s0 =	ssub.s32 s31, s0;
	s31 =	sadd.s32 $0xFFFFFE81, s29  }
0x63: {  	v5 =	vld [tilespmem:s22+$0xFFFFFFD0];
	[tilespmem:s23+$0x2850 ss:$0x81] =	vst.msk $0xffff, v3;
	s29 =	ssub.s32 $0x180, s29;
	p1 =	sgt.s32 s31, $0x0;
	s31 =	sadd.s32 $0xFFFFFF00, s0  }
0x64: {  	v58 =	vld [tilespmem:s22+$0xFFFFFFE0];
	[tilespmem:s23+$0x3060 ss:$0x81] =	vst.msk $0xffff, v2;
	s29 =	simm.s32 @p1 $0x0;
	p1 =	sgt.s32 s31, $0x7F;
	s31 =	smulhi.u32 $0xAAAAAB, s26  }
0x65: {  	v59 =	vld [tilespmem:s22+$0xFFFFFFF0];
	[tilespmem:s23+$0x0 ss:$0x81] =	vst.msk $0xffff, v1;
	s0 =	ssub.s32 $0x180, s0;
	s23 =	smul.u32 s25, s29  }
0x66: {  	v60 =	vld [tilespmem:s22+$0x0];
	s25 =	sshra.s32 s8, $0x1F;
	s0 =	simm.s32 @p1 $0x0;
	s31 =	smul.u32 $0x180, s31  }
0x67: {  	v61 =	vld [tilespmem:s22+$0x10];
	[tilespmem:s24+$0x3870 ss:$0x81] =	vst.msk $0xffff, v0;
	s25 =	sand.u32 s25, s8;
	s0 =	smul.u32 s0, s23  }
0x68: {  	v62 =	vld [tilespmem:s22+$0x20];
	[tilespmem:s24+$0x810 ss:$0x81] =	vst.msk $0xffff, v5;
	s27 =	ssub.s32 s27, s28;
	s25 =	ssub.s32 s30, s25;
	s30 =	smul.u32 $0x360000, s12  }
0x69: {  	v63 =	vld [tilespmem:s22+$0xFFFFFFC0];
	[tilespmem:s24+$0x1020 ss:$0x81] =	vst.msk $0xffff, v58;
	s28 =	ssub.s32 s26, s31;
	s29 =	sadd.s32 $0xFFFFFFC0, s25;
	s31 =	smul.u32 $0x4800, s8  }
0x6a: {  	[tilespmem:s24+$0x1830 ss:$0x81] =	vst.msk $0xffff, v59;
	s23 =	ssub.s32 $0xC0, s25;
	p1 =	sgt.s32 s29, $0x7F;
	s22 =	smul.u32 $0x30, s28  }
.Ltmp4:
0x6b: {  	[tilespmem:s24+$0x2040 ss:$0x81] =	vst.msk $0xffff, v60;
	s26 =	sadd.s32 s2, s30;
	s23 =	simm.s32 @p1 $0x0;
	(pc) =	sbr.rel .LBB1_5-.Ltmp4, $4  }
0x6c: {  	[tilespmem:s24+$0x2850 ss:$0x81] =	vst.msk $0xffff, v61;
	s29 =	sand.u32 $0x7, s27;
	s28 =	sadd.s32 s31, s26;
	s0 =	smul.u32 s23, s0  }
0x6d: {  	[tilespmem:s24+$0x3060 ss:$0x81] =	vst.msk $0xffff, v62;
	s30 =	sshrl.u32 s27, $0x3;
	s31 =	sshll.u32 s29, $0x12;
	s22 =	sadd.s32 s22, s28  }
0x6e: {  	[tilespmem:s24+$0x0 ss:$0x81] =	vst.msk $0xffff, v63;
	s23 =	sor.u32 $0x80, s31;
	s22 =	sadd.s32 s30, s22;
	s0 =	sand.u32 $0x3FFFFFFF, s0  }
0x6f: {  	[hbm4b:s22+s23] =	stream.strided.scatter [tilespmem:s21], [sflag:$0x2], s0, s7, s23, $0x20;
	[tilespmem:$0x10100] =	vst v63  }
.LBB1_6:
0x70: {  	_ =	sfence.sel $0x180000  }
0x71: {  	s0 =	simm.s32 $0x1;
	[bflag:$0x0] =	sbarrier.arrive $0xFFFF  }
0x72: {  	s31 =	simm.s32 $0x2;
	[sflag:s0] =	ssyncpa.u1 $0x1  }
0x73: {  	[sflag:s31] =	ssyncpa.u1 $0x1  }
0x74: {  	_ =	strace $0x9000004D  }
0x75: {  	[bflag:$0x2] =	sbarrier.arrive $0xFFFF  }
0x76: {  	p0 =	sne.s32 s1, $0x0;
	s0 =	rddreg [dreg:$0x2]  }
0x77: {  	s0 =	sadd.s32 @!p0 $0x100000, s0  }
0x78: {  	[sflag:s0] =	ssyncadd.tile.s32 @!p0 $0x1;
	_ =	shalt  }
.Lfunc_end1:
_tile_overlayer_lowered:
.L_overlay_start_2:
0x79: {  	(tag) =	ssettag $0x2  }
0x7a: {  	s0 =	rddreg [dreg:$0x0];
	s2 =	stileid.u32  }
0x7b: {  	s1 =	rddreg [dreg:$0x1];
	p0 =	sne.s32 s2, $0x0  }
0x7c: {  	s3 =	rddreg [dreg:$0x2];
	[bflag:$0x3] =	sbarrier.arrive $0xFFFF;
	s2 =	simm.s32 @!p0 $0x1C01  }
0x7d: {  	[timem:s3], [sflag:s2] =	dma.local @!p0 [hbm:s0], s1  }
0x7e: {  	s0 =	simm.s32 @!p0 $0x1  }
0x7f: {  	_ =	swait.ge @!p0 [sflag:s0], s1  }
0x80: {  	s1 =	ssub.s32 @!p0 $0x0, s1;
	[sflag:s0] =	ssyncset.done @!p0 $0x0  }
0x81: {  	[sflag:s0] =	ssyncadd.s32 @!p0 s1  }
0x82: {  	[bflag:$0x3] =	sbarrier.arrive $0xFFFF  }
0x83: {  	_ =	shalt  }

</sc_bundles>
